<compile_context>
chip_gen: v7x
topology: tpu7x:2x2x1
jax: 0.10.2.dev20260603
libtpu: 0.0.44.dev20260713+nightly
codegen_flags: <defaults>
</compile_context>

<pallas_src>
import functools

import jax
import jax.numpy as jnp
from jax import lax
from jax.experimental import pallas as pl
from jax.experimental.pallas import tpu as pltpu
from jax.experimental.pallas import tpu_sc as plsc

N = 10000
D = 128
H = 128
OUT = 64
CH = 128
NW = 32
NACC = 10240
RPT = NACC // 16
NB = RPT // CH
GRP = 8
NG = 10
RB = 1024
GRID = 10

_MESH = plsc.VectorSubcoreMesh(core_axis_name="c", subcore_axis_name="s")


def _hop_agg(table, srcs, dsts, zrow):

    @functools.partial(
        pl.kernel,
        out_type=jax.ShapeDtypeStruct((2, NACC, H), jnp.float32),
        mesh=_MESH,
        scratch_types=[
            pltpu.VMEM((CH, H), jnp.float32),
            pltpu.VMEM((GRP, CH), jnp.int32),
            pltpu.VMEM((GRP, CH), jnp.int32),
            pltpu.VMEM_SHARED((NACC, H), jnp.float32),
        ],
    )
    def k(table_h, srcs_h, dsts_h, zrow_h, ofeat_h,
          rows_v, src_v, dst_v, acc_s):
        c = lax.axis_index("c")
        s = lax.axis_index("s")
        w = c * 16 + s
        r0 = s * RPT
        pltpu.sync_copy(zrow_h, rows_v)
        for t in range(NB):
            pltpu.sync_copy(rows_v, acc_s.at[pl.ds(r0 + t * CH, CH)])
        plsc.subcore_barrier()

        @pl.loop(0, NG)
        def _(g):
            pltpu.sync_copy(srcs_h.at[w * NG + g], src_v)
            pltpu.sync_copy(dsts_h.at[w * NG + g], dst_v)

            @pl.loop(0, GRP)
            def _(j):
                pltpu.sync_copy(table_h.at[src_v.at[j]], rows_v)
                pltpu.sync_copy(rows_v, acc_s.at[dst_v.at[j]], add=True)

        plsc.subcore_barrier()
        pltpu.sync_copy(acc_s.at[pl.ds(r0, RPT)], ofeat_h.at[c, pl.ds(r0, RPT)])

    return k(table, srcs, dsts, zrow)


def _cnt_body(d_ref, o_ref):
    d = d_ref[...]
    q = jax.lax.shift_right_logical(d, 7)
    r = jax.lax.bitwise_and(d, 127)
    lanes = jax.lax.broadcasted_iota(jnp.int32, (1, H), 1)
    a = jnp.where(q == lanes, 1.0, 0.0)
    b = jnp.where(r == lanes, 1.0, 0.0)
    part = jax.lax.dot_general(a, b, (((0,), (0,)), ((), ())),
                               preferred_element_type=jnp.float32)

    @pl.when(pl.program_id(0) == 0)
    def _():
        o_ref[...] = jnp.zeros_like(o_ref)

    o_ref[...] += part


EC = 8192


def _cnt_tc(dst_col):
    return pl.pallas_call(
        _cnt_body,
        grid=(dst_col.shape[0] // EC,),
        in_specs=[pl.BlockSpec((EC, 1), lambda i: (i, 0))],
        out_specs=pl.BlockSpec((H, H), lambda i: (0, 0)),
        out_shape=jax.ShapeDtypeStruct((H, H), jnp.float32),
    )(dst_col)


def _cnt_col(c_ref):
    m = c_ref[...]
    i0 = jax.lax.broadcasted_iota(jnp.int32, (RB, 8), 0) // H
    s0 = jax.lax.broadcasted_iota(jnp.int32, (RB, 8), 1)
    p = jnp.where(i0 == s0, 1.0, 0.0)
    y = jnp.dot(p, m, preferred_element_type=jnp.float32)
    i1 = jax.lax.broadcasted_iota(jnp.int32, (RB, H), 0) % H
    t1 = jax.lax.broadcasted_iota(jnp.int32, (RB, H), 1)
    qm = jnp.where(i1 == t1, 1.0, 0.0)
    return jnp.maximum(jnp.sum(y * qm, axis=1, keepdims=True), 1.0)


def _proj_body(x_ref, w_ref, b_ref, o_ref):
    o_ref[...] = jnp.maximum(
        jnp.dot(x_ref[...], w_ref[...], preferred_element_type=jnp.float32)
        + b_ref[...], 0.0)


def _proj(x, wT, b):
    return pl.pallas_call(
        _proj_body,
        grid=(GRID,),
        in_specs=[
            pl.BlockSpec((RB, D), lambda i: (i, 0)),
            pl.BlockSpec((D, H), lambda i: (0, 0)),
            pl.BlockSpec((1, H), lambda i: (0, 0)),
        ],
        out_specs=pl.BlockSpec((RB, H), lambda i: (i, 0)),
        out_shape=jax.ShapeDtypeStruct((N, H), jnp.float32),
    )(x, wT, b)


def _merge0_body(f_ref, c_ref, hp_ref, w0l_ref, b0_ref, w0r_ref, h_ref):
    mean = (f_ref[0] + f_ref[1]) / _cnt_col(c_ref)
    t = (jnp.dot(mean, w0l_ref[...], preferred_element_type=jnp.float32)
         + b0_ref[...]
         + jnp.dot(hp_ref[...], w0r_ref[...], preferred_element_type=jnp.float32))
    h_ref[...] = jnp.maximum(t, 0.0)


def _r1_body(ha_ref, w1r_ref, b1_ref, r1_ref):
    r1_ref[...] = (jnp.dot(ha_ref[...], w1r_ref[...],
                           preferred_element_type=jnp.float32) + b1_ref[...])


def _r1(h_author, w1rT, b1):
    return pl.pallas_call(
        _r1_body,
        grid=(GRID,),
        in_specs=[
            pl.BlockSpec((RB, H), lambda i: (i, 0)),
            pl.BlockSpec((H, OUT), lambda i: (0, 0)),
            pl.BlockSpec((1, OUT), lambda i: (0, 0)),
        ],
        out_specs=pl.BlockSpec((RB, OUT), lambda i: (i, 0)),
        out_shape=jax.ShapeDtypeStruct((N, OUT), jnp.float32),
    )(h_author, w1rT, b1)


def _merge0(feat, cnt, h_paper, w0lT, b0, w0rT):
    return pl.pallas_call(
        _merge0_body,
        grid=(GRID,),
        in_specs=[
            pl.BlockSpec((2, RB, H), lambda i: (0, i, 0)),
            pl.BlockSpec((8, H), lambda i: (i, 0)),
            pl.BlockSpec((RB, H), lambda i: (i, 0)),
            pl.BlockSpec((H, H), lambda i: (0, 0)),
            pl.BlockSpec((1, H), lambda i: (0, 0)),
            pl.BlockSpec((H, H), lambda i: (0, 0)),
        ],
        out_specs=pl.BlockSpec((RB, H), lambda i: (i, 0)),
        out_shape=jax.ShapeDtypeStruct((N, H), jnp.float32),
    )(feat, cnt, h_paper, w0lT, b0, w0rT)


def _final_body(f_ref, c_ref, r1_ref, w1l_ref, o_ref):
    mean = (f_ref[0] + f_ref[1]) / _cnt_col(c_ref)
    o_ref[...] = (jnp.dot(mean, w1l_ref[...],
                          preferred_element_type=jnp.float32) + r1_ref[...])


def _final(feat, cnt, r1, w1lT):
    return pl.pallas_call(
        _final_body,
        grid=(GRID,),
        in_specs=[
            pl.BlockSpec((2, RB, H), lambda i: (0, i, 0)),
            pl.BlockSpec((8, H), lambda i: (i, 0)),
            pl.BlockSpec((RB, OUT), lambda i: (i, 0)),
            pl.BlockSpec((H, OUT), lambda i: (0, 0)),
        ],
        out_specs=pl.BlockSpec((RB, OUT), lambda i: (i, 0)),
        out_shape=jax.ShapeDtypeStruct((N, OUT), jnp.float32),
    )(feat, cnt, r1, w1lT)


def kernel(x_author, x_paper, edge_index_hop0, edge_index_hop1,
           W_proj_author, b_proj_author, W_proj_paper, b_proj_paper,
           W0_l, b0_l, W0_r, W1_l, b1_l, W1_r):
    E = edge_index_hop0.shape[1]
    EP = NW * NG * GRP * CH
    npad = EP - E
    pad_src = (jnp.arange(npad, dtype=jnp.int32) * 37) % N
    pad_dst = N + (jnp.arange(npad, dtype=jnp.int32) % (NACC - N))

    def prep(idx, pad_vals):
        flat = jnp.concatenate([idx.astype(jnp.int32), pad_vals])
        return flat.reshape(NW * NG, GRP, CH), flat.reshape(EP, 1)

    src0, _ = prep(edge_index_hop0[0], pad_src)
    dst0, dcol0 = prep(edge_index_hop0[1], pad_dst)
    src1, _ = prep(edge_index_hop1[0], pad_src)
    dst1, dcol1 = prep(edge_index_hop1[1], pad_dst)

    zrow = jnp.zeros((CH, H), jnp.float32)

    h_author = _proj(x_author, W_proj_author.T, b_proj_author.reshape(1, H))
    h_paper = _proj(x_paper, W_proj_paper.T, b_proj_paper.reshape(1, H))

    cnt0 = _cnt_tc(dcol0)
    cnt1 = _cnt_tc(dcol1)

    feat0 = _hop_agg(h_author, src0, dst0, zrow)

    h = _merge0(feat0, cnt0, h_paper, W0_l.T, b0_l.reshape(1, H), W0_r.T)
    r1 = _r1(h_author, W1_r.T, b1_l.reshape(1, OUT))

    feat1 = _hop_agg(h, src1, dst1, zrow)

    return _final(feat1, cnt1, r1, W1_l.T)

# --- scband reference (transcript-rebuilt; emitter-appended) ---
"""Pipeline reference for scband-matching-graph-gnn-27908697489751 (READ-ONLY COPY).

The authoritative reference and input builder live on the scoring server;
editing this copy changes nothing except your own understanding.
"""

import jax, jax.numpy as jnp
import numpy as np

N = 10000
E = 320000
D = 128
H = 128
OUT = 64

def _glorot(key, shape):
    fan_in = shape[-1]
    return jax.random.normal(key, shape, dtype=jnp.float32) / np.sqrt(fan_in)

def setup_inputs(seed: int = 0):
    key = jax.random.key(seed)
    ks = jax.random.split(key, 16)
    return {
        "x_author": jax.random.normal(ks[0], (N, D), dtype=jnp.float32),
        "x_paper": jax.random.normal(ks[1], (N, D), dtype=jnp.float32),
        "edge_index_hop0": jax.random.randint(ks[2], (2, E), 0, N),
        "edge_index_hop1": jax.random.randint(ks[3], (2, E), 0, N),
        "W_proj_author": _glorot(ks[4], (H, D)),
        "b_proj_author": jnp.zeros((H,), jnp.float32),
        "W_proj_paper": _glorot(ks[5], (H, D)),
        "b_proj_paper": jnp.zeros((H,), jnp.float32),
        "W0_l": _glorot(ks[6], (H, H)),
        "b0_l": jnp.zeros((H,), jnp.float32),
        "W0_r": _glorot(ks[7], (H, H)),
        "W1_l": _glorot(ks[8], (OUT, H)),
        "b1_l": jnp.zeros((OUT,), jnp.float32),
        "W1_r": _glorot(ks[9], (OUT, H)),
    }

def _sage(x_src, x_dst, edge_index, W_l, b_l, W_r):
    # PyG SAGEConv with mean aggregation: lin_l(mean_agg(x_src)) + lin_r(x_dst)
    # lin_l has bias, lin_r has no bias (PyG default)
    src = edge_index[0]
    dst = edge_index[1]
    msgs = jnp.take(x_src, src, axis=0)
    agg = jax.ops.segment_sum(msgs, dst, num_segments=x_dst.shape[0])
    cnt = jax.ops.segment_sum(jnp.ones((edge_index.shape[1],), x_src.dtype), dst, num_segments=x_dst.shape[0])
    mean = agg / jnp.maximum(cnt, 1.0)[:, None]
    return mean @ W_l.T + b_l + x_dst @ W_r.T

def reference(x_author, x_paper, edge_index_hop0, edge_index_hop1,
              W_proj_author, b_proj_author, W_proj_paper, b_proj_paper,
              W0_l, b0_l, W0_r, W1_l, b1_l, W1_r):
    # input projections to common hidden_dim
    h_author = jax.nn.relu(x_author @ W_proj_author.T + b_proj_author)
    h_paper = jax.nn.relu(x_paper @ W_proj_paper.T + b_proj_paper)
    # hop 0: author -> paper (intermediate hop: ReLU)
    out0 = _sage(h_author, h_paper, edge_index_hop0, W0_l, b0_l, W0_r)
    h_paper = jax.nn.relu(out0)
    # hop 1: paper -> author (final hop: no activation)
    out1 = _sage(h_paper, h_author, edge_index_hop1, W1_l, b1_l, W1_r)
    return out1

if __name__ == "__main__":
    import jax
    _d = setup_inputs()
    print(jax.jit(kernel)(*tuple(_d.values())))

</pallas_src>

<mosaic_0001>
#map = affine_map<(d0, d1) -> (0, 0)>
#map1 = affine_map<(d0, d1) -> (0, 0, 0)>
module attributes {stable_mosaic.version = 14 : i64} {
  func.func @k(%arg0: i32, %arg1: i32, %arg2: memref<10000x128xf32, #tpu.memory_space<hbm>>, %arg3: memref<320x8x128xi32, #tpu.memory_space<hbm>>, %arg4: memref<320x8x128xi32, #tpu.memory_space<hbm>>, %arg5: memref<128x128xf32, #tpu.memory_space<hbm>>, %arg6: memref<2x10240x128xf32, #tpu.memory_space<hbm>>, %arg7: memref<128x128xf32, #tpu.memory_space<vmem>>, %arg8: memref<8x128xi32, #tpu.memory_space<vmem>>, %arg9: memref<8x128xi32, #tpu.memory_space<vmem>>, %arg10: memref<10240x128xf32, #tpu.memory_space<vmem_shared>>) attributes {dimension_semantics = [#tpu.dimension_semantics<core_parallel>, #tpu.dimension_semantics<subcore_parallel>], iteration_bounds = array<i64: 2, 16>, scalar_prefetch = 0 : i64, scratch_operands = 4 : i64, tpu.core_type = #tpu.core_type<sc_vector_subcore>, window_params = [{transform_indices = #map}, {transform_indices = #map1}, {transform_indices = #map1}, {transform_indices = #map}, {transform_indices = #map1}]} {
    %mul3A = arith.constant 16 : i32
    %mul3A_0 = arith.muli %arg0, %mul3A : i32
    %add3A = arith.addi %mul3A_0, %arg1 : i32
    %mul3A_1 = arith.constant 640 : i32
    %mul3A_2 = arith.muli %arg1, %mul3A_1 : i32
    "tpu.region"() ({
      %run_scoped3A = tpu.sem_alloc : memref<!tpu.dma_semaphore, #tpu.memory_space<semaphore_mem>>
      tpu.enqueue_dma source(%arg5 : memref<128x128xf32, #tpu.memory_space<hbm>>) target(%arg7 : memref<128x128xf32, #tpu.memory_space<vmem>>) target_semaphore(%run_scoped3A : memref<!tpu.dma_semaphore, #tpu.memory_space<semaphore_mem>>)
      tpu.wait_dma2 semaphore(%run_scoped3A : memref<!tpu.dma_semaphore, #tpu.memory_space<semaphore_mem>>) src(%arg5 : memref<128x128xf32, #tpu.memory_space<hbm>>) dst(%arg7 : memref<128x128xf32, #tpu.memory_space<vmem>>)
      tpu.yield
    }) : () -> ()
    %add3A_3 = arith.constant 0 : i32
    %add3A_4 = arith.addi %mul3A_2, %add3A_3 : i32
    "tpu.region"() ({
      %run_scoped3A = tpu.sem_alloc : memref<!tpu.dma_semaphore, #tpu.memory_space<semaphore_mem>>
      %dma_start3A = arith.constant 0 : i32
      %dma_start3A_18 = tpu.memref_slice %arg10[%add3A_4, %dma_start3A] : memref<10240x128xf32, #tpu.memory_space<vmem_shared>> -> memref<128x128xf32, #tpu.memory_space<vmem_shared>>
      %dma_start3A_19 = arith.constant 0 : i32
      %dma_start3A_20 = tpu.memref_slice %arg10[%add3A_4, %dma_start3A_19] : memref<10240x128xf32, #tpu.memory_space<vmem_shared>> -> memref<128x128xf32, #tpu.memory_space<vmem_shared>>
      tpu.enqueue_dma source(%arg7 : memref<128x128xf32, #tpu.memory_space<vmem>>) target(%dma_start3A_20 : memref<128x128xf32, #tpu.memory_space<vmem_shared>>) target_semaphore(%run_scoped3A : memref<!tpu.dma_semaphore, #tpu.memory_space<semaphore_mem>>)
      %dma_wait3A = arith.constant 0 : i32
      %dma_wait3A_21 = tpu.memref_slice %arg10[%add3A_4, %dma_wait3A] : memref<10240x128xf32, #tpu.memory_space<vmem_shared>> -> memref<128x128xf32, #tpu.memory_space<vmem_shared>>
      %dma_wait3A_22 = arith.constant 0 : i32
      %dma_wait3A_23 = tpu.memref_slice %arg10[%add3A_4, %dma_wait3A_22] : memref<10240x128xf32, #tpu.memory_space<vmem_shared>> -> memref<128x128xf32, #tpu.memory_space<vmem_shared>>
      tpu.wait_dma2 semaphore(%run_scoped3A : memref<!tpu.dma_semaphore, #tpu.memory_space<semaphore_mem>>) src(%arg7 : memref<128x128xf32, #tpu.memory_space<vmem>>) dst(%dma_wait3A_23 : memref<128x128xf32, #tpu.memory_space<vmem_shared>>)
      tpu.yield
    }) : () -> ()
    %add3A_5 = arith.constant 128 : i32
    %add3A_6 = arith.addi %mul3A_2, %add3A_5 : i32
    "tpu.region"() ({
      %run_scoped3A = tpu.sem_alloc : memref<!tpu.dma_semaphore, #tpu.memory_space<semaphore_mem>>
      %dma_start3A = arith.constant 0 : i32
      %dma_start3A_18 = tpu.memref_slice %arg10[%add3A_6, %dma_start3A] : memref<10240x128xf32, #tpu.memory_space<vmem_shared>> -> memref<128x128xf32, #tpu.memory_space<vmem_shared>>
      %dma_start3A_19 = arith.constant 0 : i32
      %dma_start3A_20 = tpu.memref_slice %arg10[%add3A_6, %dma_start3A_19] : memref<10240x128xf32, #tpu.memory_space<vmem_shared>> -> memref<128x128xf32, #tpu.memory_space<vmem_shared>>
      tpu.enqueue_dma source(%arg7 : memref<128x128xf32, #tpu.memory_space<vmem>>) target(%dma_start3A_20 : memref<128x128xf32, #tpu.memory_space<vmem_shared>>) target_semaphore(%run_scoped3A : memref<!tpu.dma_semaphore, #tpu.memory_space<semaphore_mem>>)
      %dma_wait3A = arith.constant 0 : i32
      %dma_wait3A_21 = tpu.memref_slice %arg10[%add3A_6, %dma_wait3A] : memref<10240x128xf32, #tpu.memory_space<vmem_shared>> -> memref<128x128xf32, #tpu.memory_space<vmem_shared>>
      %dma_wait3A_22 = arith.constant 0 : i32
      %dma_wait3A_23 = tpu.memref_slice %arg10[%add3A_6, %dma_wait3A_22] : memref<10240x128xf32, #tpu.memory_space<vmem_shared>> -> memref<128x128xf32, #tpu.memory_space<vmem_shared>>
      tpu.wait_dma2 semaphore(%run_scoped3A : memref<!tpu.dma_semaphore, #tpu.memory_space<semaphore_mem>>) src(%arg7 : memref<128x128xf32, #tpu.memory_space<vmem>>) dst(%dma_wait3A_23 : memref<128x128xf32, #tpu.memory_space<vmem_shared>>)
      tpu.yield
    }) : () -> ()
    %add3A_7 = arith.constant 256 : i32
    %add3A_8 = arith.addi %mul3A_2, %add3A_7 : i32
    "tpu.region"() ({
      %run_scoped3A = tpu.sem_alloc : memref<!tpu.dma_semaphore, #tpu.memory_space<semaphore_mem>>
      %dma_start3A = arith.constant 0 : i32
      %dma_start3A_18 = tpu.memref_slice %arg10[%add3A_8, %dma_start3A] : memref<10240x128xf32, #tpu.memory_space<vmem_shared>> -> memref<128x128xf32, #tpu.memory_space<vmem_shared>>
      %dma_start3A_19 = arith.constant 0 : i32
      %dma_start3A_20 = tpu.memref_slice %arg10[%add3A_8, %dma_start3A_19] : memref<10240x128xf32, #tpu.memory_space<vmem_shared>> -> memref<128x128xf32, #tpu.memory_space<vmem_shared>>
      tpu.enqueue_dma source(%arg7 : memref<128x128xf32, #tpu.memory_space<vmem>>) target(%dma_start3A_20 : memref<128x128xf32, #tpu.memory_space<vmem_shared>>) target_semaphore(%run_scoped3A : memref<!tpu.dma_semaphore, #tpu.memory_space<semaphore_mem>>)
      %dma_wait3A = arith.constant 0 : i32
      %dma_wait3A_21 = tpu.memref_slice %arg10[%add3A_8, %dma_wait3A] : memref<10240x128xf32, #tpu.memory_space<vmem_shared>> -> memref<128x128xf32, #tpu.memory_space<vmem_shared>>
      %dma_wait3A_22 = arith.constant 0 : i32
      %dma_wait3A_23 = tpu.memref_slice %arg10[%add3A_8, %dma_wait3A_22] : memref<10240x128xf32, #tpu.memory_space<vmem_shared>> -> memref<128x128xf32, #tpu.memory_space<vmem_shared>>
      tpu.wait_dma2 semaphore(%run_scoped3A : memref<!tpu.dma_semaphore, #tpu.memory_space<semaphore_mem>>) src(%arg7 : memref<128x128xf32, #tpu.memory_space<vmem>>) dst(%dma_wait3A_23 : memref<128x128xf32, #tpu.memory_space<vmem_shared>>)
      tpu.yield
    }) : () -> ()
    %add3A_9 = arith.constant 384 : i32
    %add3A_10 = arith.addi %mul3A_2, %add3A_9 : i32
    "tpu.region"() ({
      %run_scoped3A = tpu.sem_alloc : memref<!tpu.dma_semaphore, #tpu.memory_space<semaphore_mem>>
      %dma_start3A = arith.constant 0 : i32
      %dma_start3A_18 = tpu.memref_slice %arg10[%add3A_10, %dma_start3A] : memref<10240x128xf32, #tpu.memory_space<vmem_shared>> -> memref<128x128xf32, #tpu.memory_space<vmem_shared>>
      %dma_start3A_19 = arith.constant 0 : i32
      %dma_start3A_20 = tpu.memref_slice %arg10[%add3A_10, %dma_start3A_19] : memref<10240x128xf32, #tpu.memory_space<vmem_shared>> -> memref<128x128xf32, #tpu.memory_space<vmem_shared>>
      tpu.enqueue_dma source(%arg7 : memref<128x128xf32, #tpu.memory_space<vmem>>) target(%dma_start3A_20 : memref<128x128xf32, #tpu.memory_space<vmem_shared>>) target_semaphore(%run_scoped3A : memref<!tpu.dma_semaphore, #tpu.memory_space<semaphore_mem>>)
      %dma_wait3A = arith.constant 0 : i32
      %dma_wait3A_21 = tpu.memref_slice %arg10[%add3A_10, %dma_wait3A] : memref<10240x128xf32, #tpu.memory_space<vmem_shared>> -> memref<128x128xf32, #tpu.memory_space<vmem_shared>>
      %dma_wait3A_22 = arith.constant 0 : i32
      %dma_wait3A_23 = tpu.memref_slice %arg10[%add3A_10, %dma_wait3A_22] : memref<10240x128xf32, #tpu.memory_space<vmem_shared>> -> memref<128x128xf32, #tpu.memory_space<vmem_shared>>
      tpu.wait_dma2 semaphore(%run_scoped3A : memref<!tpu.dma_semaphore, #tpu.memory_space<semaphore_mem>>) src(%arg7 : memref<128x128xf32, #tpu.memory_space<vmem>>) dst(%dma_wait3A_23 : memref<128x128xf32, #tpu.memory_space<vmem_shared>>)
      tpu.yield
    }) : () -> ()
    %add3A_11 = arith.constant 512 : i32
    %add3A_12 = arith.addi %mul3A_2, %add3A_11 : i32
    "tpu.region"() ({
      %run_scoped3A = tpu.sem_alloc : memref<!tpu.dma_semaphore, #tpu.memory_space<semaphore_mem>>
      %dma_start3A = arith.constant 0 : i32
      %dma_start3A_18 = tpu.memref_slice %arg10[%add3A_12, %dma_start3A] : memref<10240x128xf32, #tpu.memory_space<vmem_shared>> -> memref<128x128xf32, #tpu.memory_space<vmem_shared>>
      %dma_start3A_19 = arith.constant 0 : i32
      %dma_start3A_20 = tpu.memref_slice %arg10[%add3A_12, %dma_start3A_19] : memref<10240x128xf32, #tpu.memory_space<vmem_shared>> -> memref<128x128xf32, #tpu.memory_space<vmem_shared>>
      tpu.enqueue_dma source(%arg7 : memref<128x128xf32, #tpu.memory_space<vmem>>) target(%dma_start3A_20 : memref<128x128xf32, #tpu.memory_space<vmem_shared>>) target_semaphore(%run_scoped3A : memref<!tpu.dma_semaphore, #tpu.memory_space<semaphore_mem>>)
      %dma_wait3A = arith.constant 0 : i32
      %dma_wait3A_21 = tpu.memref_slice %arg10[%add3A_12, %dma_wait3A] : memref<10240x128xf32, #tpu.memory_space<vmem_shared>> -> memref<128x128xf32, #tpu.memory_space<vmem_shared>>
      %dma_wait3A_22 = arith.constant 0 : i32
      %dma_wait3A_23 = tpu.memref_slice %arg10[%add3A_12, %dma_wait3A_22] : memref<10240x128xf32, #tpu.memory_space<vmem_shared>> -> memref<128x128xf32, #tpu.memory_space<vmem_shared>>
      tpu.wait_dma2 semaphore(%run_scoped3A : memref<!tpu.dma_semaphore, #tpu.memory_space<semaphore_mem>>) src(%arg7 : memref<128x128xf32, #tpu.memory_space<vmem>>) dst(%dma_wait3A_23 : memref<128x128xf32, #tpu.memory_space<vmem_shared>>)
      tpu.yield
    }) : () -> ()
    %barrier3A = arith.constant 0 : index
    tpu.barrier barrier_id(%barrier3A)
    %scan3A = arith.constant 0 : i32
    %scan3A_13 = arith.constant 10 : i32
    %scan3A_14 = arith.addi %scan3A, %scan3A_13 : i32
    %scan3A_15 = arith.constant 1 : i32
    scf.for %scan3A_18 = %scan3A to %scan3A_14 step %scan3A_15  : i32 {
      %mul3A_19 = arith.constant 1 : i32
      %mul3A_20 = arith.muli %scan3A_18, %mul3A_19 : i32
      %add3A_21 = arith.constant 0 : i32
      %add3A_22 = arith.addi %add3A_21, %mul3A_20 : i32
      %mul3A_23 = arith.constant 10 : i32
      %mul3A_24 = arith.muli %add3A, %mul3A_23 : i32
      %add3A_25 = arith.addi %mul3A_24, %add3A_22 : i32
      "tpu.region"() ({
        %run_scoped3A = tpu.sem_alloc : memref<!tpu.dma_semaphore, #tpu.memory_space<semaphore_mem>>
        %dma_start3A = arith.constant 0 : i32
        %dma_start3A_34 = arith.constant 0 : i32
        %dma_start3A_35 = tpu.memref_slice %arg3[%add3A_25, %dma_start3A, %dma_start3A_34] : memref<320x8x128xi32, #tpu.memory_space<hbm>> -> memref<1x8x128xi32, #tpu.memory_space<hbm>>
        %dma_start3A_36 = tpu.memref_squeeze %dma_start3A_35 : memref<1x8x128xi32, #tpu.memory_space<hbm>> -> memref<8x128xi32, #tpu.memory_space<hbm>>
        %dma_start3A_37 = arith.constant 0 : i32
        %dma_start3A_38 = arith.constant 0 : i32
        %dma_start3A_39 = tpu.memref_slice %arg3[%add3A_25, %dma_start3A_37, %dma_start3A_38] : memref<320x8x128xi32, #tpu.memory_space<hbm>> -> memref<1x8x128xi32, #tpu.memory_space<hbm>>
        %dma_start3A_40 = tpu.memref_squeeze %dma_start3A_39 : memref<1x8x128xi32, #tpu.memory_space<hbm>> -> memref<8x128xi32, #tpu.memory_space<hbm>>
        tpu.enqueue_dma source(%dma_start3A_40 : memref<8x128xi32, #tpu.memory_space<hbm>>) target(%arg8 : memref<8x128xi32, #tpu.memory_space<vmem>>) target_semaphore(%run_scoped3A : memref<!tpu.dma_semaphore, #tpu.memory_space<semaphore_mem>>)
        %dma_wait3A = arith.constant 0 : i32
        %dma_wait3A_41 = arith.constant 0 : i32
        %dma_wait3A_42 = tpu.memref_slice %arg3[%add3A_25, %dma_wait3A, %dma_wait3A_41] : memref<320x8x128xi32, #tpu.memory_space<hbm>> -> memref<1x8x128xi32, #tpu.memory_space<hbm>>
        %dma_wait3A_43 = tpu.memref_squeeze %dma_wait3A_42 : memref<1x8x128xi32, #tpu.memory_space<hbm>> -> memref<8x128xi32, #tpu.memory_space<hbm>>
        %dma_wait3A_44 = arith.constant 0 : i32
        %dma_wait3A_45 = arith.constant 0 : i32
        %dma_wait3A_46 = tpu.memref_slice %arg3[%add3A_25, %dma_wait3A_44, %dma_wait3A_45] : memref<320x8x128xi32, #tpu.memory_space<hbm>> -> memref<1x8x128xi32, #tpu.memory_space<hbm>>
        %dma_wait3A_47 = tpu.memref_squeeze %dma_wait3A_46 : memref<1x8x128xi32, #tpu.memory_space<hbm>> -> memref<8x128xi32, #tpu.memory_space<hbm>>
        tpu.wait_dma2 semaphore(%run_scoped3A : memref<!tpu.dma_semaphore, #tpu.memory_space<semaphore_mem>>) src(%dma_wait3A_47 : memref<8x128xi32, #tpu.memory_space<hbm>>) dst(%arg8 : memref<8x128xi32, #tpu.memory_space<vmem>>)
        tpu.yield
      }) : () -> ()
      %mul3A_26 = arith.constant 10 : i32
      %mul3A_27 = arith.muli %add3A, %mul3A_26 : i32
      %add3A_28 = arith.addi %mul3A_27, %add3A_22 : i32
      "tpu.region"() ({
        %run_scoped3A = tpu.sem_alloc : memref<!tpu.dma_semaphore, #tpu.memory_space<semaphore_mem>>
        %dma_start3A = arith.constant 0 : i32
        %dma_start3A_34 = arith.constant 0 : i32
        %dma_start3A_35 = tpu.memref_slice %arg4[%add3A_28, %dma_start3A, %dma_start3A_34] : memref<320x8x128xi32, #tpu.memory_space<hbm>> -> memref<1x8x128xi32, #tpu.memory_space<hbm>>
        %dma_start3A_36 = tpu.memref_squeeze %dma_start3A_35 : memref<1x8x128xi32, #tpu.memory_space<hbm>> -> memref<8x128xi32, #tpu.memory_space<hbm>>
        %dma_start3A_37 = arith.constant 0 : i32
        %dma_start3A_38 = arith.constant 0 : i32
        %dma_start3A_39 = tpu.memref_slice %arg4[%add3A_28, %dma_start3A_37, %dma_start3A_38] : memref<320x8x128xi32, #tpu.memory_space<hbm>> -> memref<1x8x128xi32, #tpu.memory_space<hbm>>
        %dma_start3A_40 = tpu.memref_squeeze %dma_start3A_39 : memref<1x8x128xi32, #tpu.memory_space<hbm>> -> memref<8x128xi32, #tpu.memory_space<hbm>>
        tpu.enqueue_dma source(%dma_start3A_40 : memref<8x128xi32, #tpu.memory_space<hbm>>) target(%arg9 : memref<8x128xi32, #tpu.memory_space<vmem>>) target_semaphore(%run_scoped3A : memref<!tpu.dma_semaphore, #tpu.memory_space<semaphore_mem>>)
        %dma_wait3A = arith.constant 0 : i32
        %dma_wait3A_41 = arith.constant 0 : i32
        %dma_wait3A_42 = tpu.memref_slice %arg4[%add3A_28, %dma_wait3A, %dma_wait3A_41] : memref<320x8x128xi32, #tpu.memory_space<hbm>> -> memref<1x8x128xi32, #tpu.memory_space<hbm>>
        %dma_wait3A_43 = tpu.memref_squeeze %dma_wait3A_42 : memref<1x8x128xi32, #tpu.memory_space<hbm>> -> memref<8x128xi32, #tpu.memory_space<hbm>>
        %dma_wait3A_44 = arith.constant 0 : i32
        %dma_wait3A_45 = arith.constant 0 : i32
        %dma_wait3A_46 = tpu.memref_slice %arg4[%add3A_28, %dma_wait3A_44, %dma_wait3A_45] : memref<320x8x128xi32, #tpu.memory_space<hbm>> -> memref<1x8x128xi32, #tpu.memory_space<hbm>>
        %dma_wait3A_47 = tpu.memref_squeeze %dma_wait3A_46 : memref<1x8x128xi32, #tpu.memory_space<hbm>> -> memref<8x128xi32, #tpu.memory_space<hbm>>
        tpu.wait_dma2 semaphore(%run_scoped3A : memref<!tpu.dma_semaphore, #tpu.memory_space<semaphore_mem>>) src(%dma_wait3A_47 : memref<8x128xi32, #tpu.memory_space<hbm>>) dst(%arg9 : memref<8x128xi32, #tpu.memory_space<vmem>>)
        tpu.yield
      }) : () -> ()
      %scan3A_29 = arith.constant 0 : i32
      %scan3A_30 = arith.constant 8 : i32
      %scan3A_31 = arith.addi %scan3A_29, %scan3A_30 : i32
      %scan3A_32 = arith.constant 1 : i32
      scf.for %scan3A_34 = %scan3A_29 to %scan3A_31 step %scan3A_32  : i32 {
        %mul3A_35 = arith.constant 1 : i32
        %mul3A_36 = arith.muli %scan3A_34, %mul3A_35 : i32
        %add3A_37 = arith.constant 0 : i32
        %add3A_38 = arith.addi %add3A_37, %mul3A_36 : i32
        "tpu.region"() ({
          %run_scoped3A = tpu.sem_alloc : memref<!tpu.dma_semaphore, #tpu.memory_space<semaphore_mem>>
          %dma_start3A = arith.constant 0 : i32
          %dma_start3A_39 = tpu.memref_slice %arg8[%add3A_38, %dma_start3A] : memref<8x128xi32, #tpu.memory_space<vmem>> -> memref<1x128xi32, #tpu.memory_space<vmem>>
          %dma_start3A_40 = tpu.memref_squeeze %dma_start3A_39 : memref<1x128xi32, #tpu.memory_space<vmem>> -> memref<128xi32, #tpu.memory_space<vmem>>
          %dma_start3A_41 = arith.constant 0 : i32
          %dma_start3A_42 = arith.constant 0 : i32
          %dma_start3A_43 = tpu.memref_slice %arg2[%dma_start3A_41, %dma_start3A_42] : memref<10000x128xf32, #tpu.memory_space<hbm>> -> memref<10000x128xf32, #tpu.memory_space<hbm>>
          tpu.enqueue_indirect_dma source(%dma_start3A_43 : memref<10000x128xf32, #tpu.memory_space<hbm>>) target(%arg7 : memref<128x128xf32, #tpu.memory_space<vmem>>) offsets(%dma_start3A_40 : memref<128xi32, #tpu.memory_space<vmem>>) semaphore(%run_scoped3A : memref<!tpu.dma_semaphore, #tpu.memory_space<semaphore_mem>>)
          %dma_wait3A = arith.constant 0 : i32
          %dma_wait3A_44 = tpu.memref_slice %arg8[%add3A_38, %dma_wait3A] : memref<8x128xi32, #tpu.memory_space<vmem>> -> memref<1x128xi32, #tpu.memory_space<vmem>>
          %dma_wait3A_45 = tpu.memref_squeeze %dma_wait3A_44 : memref<1x128xi32, #tpu.memory_space<vmem>> -> memref<128xi32, #tpu.memory_space<vmem>>
          %dma_wait3A_46 = arith.constant 0 : i32
          %dma_wait3A_47 = arith.constant 0 : i32
          %dma_wait3A_48 = tpu.memref_slice %arg2[%dma_wait3A_46, %dma_wait3A_47] : memref<10000x128xf32, #tpu.memory_space<hbm>> -> memref<10000x128xf32, #tpu.memory_space<hbm>>
          tpu.wait_indirect_dma semaphore(%run_scoped3A : memref<!tpu.dma_semaphore, #tpu.memory_space<semaphore_mem>>) src(%dma_wait3A_48 : memref<10000x128xf32, #tpu.memory_space<hbm>>) dst(%arg7 : memref<128x128xf32, #tpu.memory_space<vmem>>)
          tpu.yield
        }) : () -> ()
        "tpu.region"() ({
          %run_scoped3A = tpu.sem_alloc : memref<!tpu.dma_semaphore, #tpu.memory_space<semaphore_mem>>
          %dma_start3A = arith.constant 0 : i32
          %dma_start3A_39 = tpu.memref_slice %arg9[%add3A_38, %dma_start3A] : memref<8x128xi32, #tpu.memory_space<vmem>> -> memref<1x128xi32, #tpu.memory_space<vmem>>
          %dma_start3A_40 = tpu.memref_squeeze %dma_start3A_39 : memref<1x128xi32, #tpu.memory_space<vmem>> -> memref<128xi32, #tpu.memory_space<vmem>>
          %dma_start3A_41 = arith.constant 0 : i32
          %dma_start3A_42 = arith.constant 0 : i32
          %dma_start3A_43 = tpu.memref_slice %arg10[%dma_start3A_41, %dma_start3A_42] : memref<10240x128xf32, #tpu.memory_space<vmem_shared>> -> memref<10240x128xf32, #tpu.memory_space<vmem_shared>>
          tpu.enqueue_indirect_dma source(%arg7 : memref<128x128xf32, #tpu.memory_space<vmem>>) target(%dma_start3A_43 : memref<10240x128xf32, #tpu.memory_space<vmem_shared>>) offsets(%dma_start3A_40 : memref<128xi32, #tpu.memory_space<vmem>>) semaphore(%run_scoped3A : memref<!tpu.dma_semaphore, #tpu.memory_space<semaphore_mem>>) {add = true}
          %dma_wait3A = arith.constant 0 : i32
          %dma_wait3A_44 = tpu.memref_slice %arg9[%add3A_38, %dma_wait3A] : memref<8x128xi32, #tpu.memory_space<vmem>> -> memref<1x128xi32, #tpu.memory_space<vmem>>
          %dma_wait3A_45 = tpu.memref_squeeze %dma_wait3A_44 : memref<1x128xi32, #tpu.memory_space<vmem>> -> memref<128xi32, #tpu.memory_space<vmem>>
          %dma_wait3A_46 = arith.constant 0 : i32
          %dma_wait3A_47 = arith.constant 0 : i32
          %dma_wait3A_48 = tpu.memref_slice %arg10[%dma_wait3A_46, %dma_wait3A_47] : memref<10240x128xf32, #tpu.memory_space<vmem_shared>> -> memref<10240x128xf32, #tpu.memory_space<vmem_shared>>
          tpu.wait_indirect_dma semaphore(%run_scoped3A : memref<!tpu.dma_semaphore, #tpu.memory_space<semaphore_mem>>) src(%arg7 : memref<128x128xf32, #tpu.memory_space<vmem>>) dst(%dma_wait3A_48 : memref<10240x128xf32, #tpu.memory_space<vmem_shared>>)
          tpu.yield
        }) : () -> ()
      }
      %scan3A_33 = arith.constant 8 : i32
    }
    %scan3A_16 = arith.constant 10 : i32
    %barrier3A_17 = arith.constant 0 : index
    tpu.barrier barrier_id(%barrier3A_17)
    "tpu.region"() ({
      %run_scoped3A = tpu.sem_alloc : memref<!tpu.dma_semaphore, #tpu.memory_space<semaphore_mem>>
      %dma_start3A = arith.constant 0 : i32
      %dma_start3A_18 = tpu.memref_slice %arg6[%arg0, %mul3A_2, %dma_start3A] : memref<2x10240x128xf32, #tpu.memory_space<hbm>> -> memref<1x640x128xf32, #tpu.memory_space<hbm>>
      %dma_start3A_19 = tpu.memref_squeeze %dma_start3A_18 : memref<1x640x128xf32, #tpu.memory_space<hbm>> -> memref<640x128xf32, #tpu.memory_space<hbm>>
      %dma_start3A_20 = arith.constant 0 : i32
      %dma_start3A_21 = tpu.memref_slice %arg10[%mul3A_2, %dma_start3A_20] : memref<10240x128xf32, #tpu.memory_space<vmem_shared>> -> memref<640x128xf32, #tpu.memory_space<vmem_shared>>
      tpu.enqueue_dma source(%dma_start3A_21 : memref<640x128xf32, #tpu.memory_space<vmem_shared>>) target(%dma_start3A_19 : memref<640x128xf32, #tpu.memory_space<hbm>>) target_semaphore(%run_scoped3A : memref<!tpu.dma_semaphore, #tpu.memory_space<semaphore_mem>>)
      %dma_wait3A = arith.constant 0 : i32
      %dma_wait3A_22 = tpu.memref_slice %arg6[%arg0, %mul3A_2, %dma_wait3A] : memref<2x10240x128xf32, #tpu.memory_space<hbm>> -> memref<1x640x128xf32, #tpu.memory_space<hbm>>
      %dma_wait3A_23 = tpu.memref_squeeze %dma_wait3A_22 : memref<1x640x128xf32, #tpu.memory_space<hbm>> -> memref<640x128xf32, #tpu.memory_space<hbm>>
      %dma_wait3A_24 = arith.constant 0 : i32
      %dma_wait3A_25 = tpu.memref_slice %arg10[%mul3A_2, %dma_wait3A_24] : memref<10240x128xf32, #tpu.memory_space<vmem_shared>> -> memref<640x128xf32, #tpu.memory_space<vmem_shared>>
      tpu.wait_dma2 semaphore(%run_scoped3A : memref<!tpu.dma_semaphore, #tpu.memory_space<semaphore_mem>>) src(%dma_wait3A_25 : memref<640x128xf32, #tpu.memory_space<vmem_shared>>) dst(%dma_wait3A_23 : memref<640x128xf32, #tpu.memory_space<hbm>>)
      tpu.yield
    }) : () -> ()
    return
  }
}

#map = affine_map<(d0, d1) -> (0, 0)>
#map1 = affine_map<(d0, d1) -> (0, 0, 0)>
module attributes {stable_mosaic.version = 14 : i64} {
  func.func @k(%arg0: i32, %arg1: i32, %arg2: memref<10000x128xf32, #tpu.memory_space<hbm>>, %arg3: memref<320x8x128xi32, #tpu.memory_space<hbm>>, %arg4: memref<320x8x128xi32, #tpu.memory_space<hbm>>, %arg5: memref<128x128xf32, #tpu.memory_space<hbm>>, %arg6: memref<2x10240x128xf32, #tpu.memory_space<hbm>>, %arg7: memref<128x128xf32, #tpu.memory_space<vmem>>, %arg8: memref<8x128xi32, #tpu.memory_space<vmem>>, %arg9: memref<8x128xi32, #tpu.memory_space<vmem>>, %arg10: memref<10240x128xf32, #tpu.memory_space<vmem_shared>>) attributes {dimension_semantics = [#tpu.dimension_semantics<core_parallel>, #tpu.dimension_semantics<subcore_parallel>], iteration_bounds = array<i64: 2, 16>, scalar_prefetch = 0 : i64, scratch_operands = 4 : i64, tpu.core_type = #tpu.core_type<sc_vector_subcore>, window_params = [{transform_indices = #map}, {transform_indices = #map1}, {transform_indices = #map1}, {transform_indices = #map}, {transform_indices = #map1}]} {
    %mul3A = arith.constant 16 : i32
    %mul3A_0 = arith.muli %arg0, %mul3A : i32
    %add3A = arith.addi %mul3A_0, %arg1 : i32
    %mul3A_1 = arith.constant 640 : i32
    %mul3A_2 = arith.muli %arg1, %mul3A_1 : i32
    "tpu.region"() ({
      %run_scoped3A = tpu.sem_alloc : memref<!tpu.dma_semaphore, #tpu.memory_space<semaphore_mem>>
      tpu.enqueue_dma source(%arg5 : memref<128x128xf32, #tpu.memory_space<hbm>>) target(%arg7 : memref<128x128xf32, #tpu.memory_space<vmem>>) target_semaphore(%run_scoped3A : memref<!tpu.dma_semaphore, #tpu.memory_space<semaphore_mem>>)
      tpu.wait_dma2 semaphore(%run_scoped3A : memref<!tpu.dma_semaphore, #tpu.memory_space<semaphore_mem>>) src(%arg5 : memref<128x128xf32, #tpu.memory_space<hbm>>) dst(%arg7 : memref<128x128xf32, #tpu.memory_space<vmem>>)
      tpu.yield
    }) : () -> ()
    %add3A_3 = arith.constant 0 : i32
    %add3A_4 = arith.addi %mul3A_2, %add3A_3 : i32
    "tpu.region"() ({
      %run_scoped3A = tpu.sem_alloc : memref<!tpu.dma_semaphore, #tpu.memory_space<semaphore_mem>>
      %dma_start3A = arith.constant 0 : i32
      %dma_start3A_18 = tpu.memref_slice %arg10[%add3A_4, %dma_start3A] : memref<10240x128xf32, #tpu.memory_space<vmem_shared>> -> memref<128x128xf32, #tpu.memory_space<vmem_shared>>
      %dma_start3A_19 = arith.constant 0 : i32
      %dma_start3A_20 = tpu.memref_slice %arg10[%add3A_4, %dma_start3A_19] : memref<10240x128xf32, #tpu.memory_space<vmem_shared>> -> memref<128x128xf32, #tpu.memory_space<vmem_shared>>
      tpu.enqueue_dma source(%arg7 : memref<128x128xf32, #tpu.memory_space<vmem>>) target(%dma_start3A_20 : memref<128x128xf32, #tpu.memory_space<vmem_shared>>) target_semaphore(%run_scoped3A : memref<!tpu.dma_semaphore, #tpu.memory_space<semaphore_mem>>)
      %dma_wait3A = arith.constant 0 : i32
      %dma_wait3A_21 = tpu.memref_slice %arg10[%add3A_4, %dma_wait3A] : memref<10240x128xf32, #tpu.memory_space<vmem_shared>> -> memref<128x128xf32, #tpu.memory_space<vmem_shared>>
      %dma_wait3A_22 = arith.constant 0 : i32
      %dma_wait3A_23 = tpu.memref_slice %arg10[%add3A_4, %dma_wait3A_22] : memref<10240x128xf32, #tpu.memory_space<vmem_shared>> -> memref<128x128xf32, #tpu.memory_space<vmem_shared>>
      tpu.wait_dma2 semaphore(%run_scoped3A : memref<!tpu.dma_semaphore, #tpu.memory_space<semaphore_mem>>) src(%arg7 : memref<128x128xf32, #tpu.memory_space<vmem>>) dst(%dma_wait3A_23 : memref<128x128xf32, #tpu.memory_space<vmem_shared>>)
      tpu.yield
    }) : () -> ()
    %add3A_5 = arith.constant 128 : i32
    %add3A_6 = arith.addi %mul3A_2, %add3A_5 : i32
    "tpu.region"() ({
      %run_scoped3A = tpu.sem_alloc : memref<!tpu.dma_semaphore, #tpu.memory_space<semaphore_mem>>
      %dma_start3A = arith.constant 0 : i32
      %dma_start3A_18 = tpu.memref_slice %arg10[%add3A_6, %dma_start3A] : memref<10240x128xf32, #tpu.memory_space<vmem_shared>> -> memref<128x128xf32, #tpu.memory_space<vmem_shared>>
      %dma_start3A_19 = arith.constant 0 : i32
      %dma_start3A_20 = tpu.memref_slice %arg10[%add3A_6, %dma_start3A_19] : memref<10240x128xf32, #tpu.memory_space<vmem_shared>> -> memref<128x128xf32, #tpu.memory_space<vmem_shared>>
      tpu.enqueue_dma source(%arg7 : memref<128x128xf32, #tpu.memory_space<vmem>>) target(%dma_start3A_20 : memref<128x128xf32, #tpu.memory_space<vmem_shared>>) target_semaphore(%run_scoped3A : memref<!tpu.dma_semaphore, #tpu.memory_space<semaphore_mem>>)
      %dma_wait3A = arith.constant 0 : i32
      %dma_wait3A_21 = tpu.memref_slice %arg10[%add3A_6, %dma_wait3A] : memref<10240x128xf32, #tpu.memory_space<vmem_shared>> -> memref<128x128xf32, #tpu.memory_space<vmem_shared>>
      %dma_wait3A_22 = arith.constant 0 : i32
      %dma_wait3A_23 = tpu.memref_slice %arg10[%add3A_6, %dma_wait3A_22] : memref<10240x128xf32, #tpu.memory_space<vmem_shared>> -> memref<128x128xf32, #tpu.memory_space<vmem_shared>>
      tpu.wait_dma2 semaphore(%run_scoped3A : memref<!tpu.dma_semaphore, #tpu.memory_space<semaphore_mem>>) src(%arg7 : memref<128x128xf32, #tpu.memory_space<vmem>>) dst(%dma_wait3A_23 : memref<128x128xf32, #tpu.memory_space<vmem_shared>>)
      tpu.yield
    }) : () -> ()
    %add3A_7 = arith.constant 256 : i32
    %add3A_8 = arith.addi %mul3A_2, %add3A_7 : i32
    "tpu.region"() ({
      %run_scoped3A = tpu.sem_alloc : memref<!tpu.dma_semaphore, #tpu.memory_space<semaphore_mem>>
      %dma_start3A = arith.constant 0 : i32
      %dma_start3A_18 = tpu.memref_slice %arg10[%add3A_8, %dma_start3A] : memref<10240x128xf32, #tpu.memory_space<vmem_shared>> -> memref<128x128xf32, #tpu.memory_space<vmem_shared>>
      %dma_start3A_19 = arith.constant 0 : i32
      %dma_start3A_20 = tpu.memref_slice %arg10[%add3A_8, %dma_start3A_19] : memref<10240x128xf32, #tpu.memory_space<vmem_shared>> -> memref<128x128xf32, #tpu.memory_space<vmem_shared>>
      tpu.enqueue_dma source(%arg7 : memref<128x128xf32, #tpu.memory_space<vmem>>) target(%dma_start3A_20 : memref<128x128xf32, #tpu.memory_space<vmem_shared>>) target_semaphore(%run_scoped3A : memref<!tpu.dma_semaphore, #tpu.memory_space<semaphore_mem>>)
      %dma_wait3A = arith.constant 0 : i32
      %dma_wait3A_21 = tpu.memref_slice %arg10[%add3A_8, %dma_wait3A] : memref<10240x128xf32, #tpu.memory_space<vmem_shared>> -> memref<128x128xf32, #tpu.memory_space<vmem_shared>>
      %dma_wait3A_22 = arith.constant 0 : i32
      %dma_wait3A_23 = tpu.memref_slice %arg10[%add3A_8, %dma_wait3A_22] : memref<10240x128xf32, #tpu.memory_space<vmem_shared>> -> memref<128x128xf32, #tpu.memory_space<vmem_shared>>
      tpu.wait_dma2 semaphore(%run_scoped3A : memref<!tpu.dma_semaphore, #tpu.memory_space<semaphore_mem>>) src(%arg7 : memref<128x128xf32, #tpu.memory_space<vmem>>) dst(%dma_wait3A_23 : memref<128x128xf32, #tpu.memory_space<vmem_shared>>)
      tpu.yield
    }) : () -> ()
    %add3A_9 = arith.constant 384 : i32
    %add3A_10 = arith.addi %mul3A_2, %add3A_9 : i32
    "tpu.region"() ({
      %run_scoped3A = tpu.sem_alloc : memref<!tpu.dma_semaphore, #tpu.memory_space<semaphore_mem>>
      %dma_start3A = arith.constant 0 : i32
      %dma_start3A_18 = tpu.memref_slice %arg10[%add3A_10, %dma_start3A] : memref<10240x128xf32, #tpu.memory_space<vmem_shared>> -> memref<128x128xf32, #tpu.memory_space<vmem_shared>>
      %dma_start3A_19 = arith.constant 0 : i32
      %dma_start3A_20 = tpu.memref_slice %arg10[%add3A_10, %dma_start3A_19] : memref<10240x128xf32, #tpu.memory_space<vmem_shared>> -> memref<128x128xf32, #tpu.memory_space<vmem_shared>>
      tpu.enqueue_dma source(%arg7 : memref<128x128xf32, #tpu.memory_space<vmem>>) target(%dma_start3A_20 : memref<128x128xf32, #tpu.memory_space<vmem_shared>>) target_semaphore(%run_scoped3A : memref<!tpu.dma_semaphore, #tpu.memory_space<semaphore_mem>>)
      %dma_wait3A = arith.constant 0 : i32
      %dma_wait3A_21 = tpu.memref_slice %arg10[%add3A_10, %dma_wait3A] : memref<10240x128xf32, #tpu.memory_space<vmem_shared>> -> memref<128x128xf32, #tpu.memory_space<vmem_shared>>
      %dma_wait3A_22 = arith.constant 0 : i32
      %dma_wait3A_23 = tpu.memref_slice %arg10[%add3A_10, %dma_wait3A_22] : memref<10240x128xf32, #tpu.memory_space<vmem_shared>> -> memref<128x128xf32, #tpu.memory_space<vmem_shared>>
      tpu.wait_dma2 semaphore(%run_scoped3A : memref<!tpu.dma_semaphore, #tpu.memory_space<semaphore_mem>>) src(%arg7 : memref<128x128xf32, #tpu.memory_space<vmem>>) dst(%dma_wait3A_23 : memref<128x128xf32, #tpu.memory_space<vmem_shared>>)
      tpu.yield
    }) : () -> ()
    %add3A_11 = arith.constant 512 : i32
    %add3A_12 = arith.addi %mul3A_2, %add3A_11 : i32
    "tpu.region"() ({
      %run_scoped3A = tpu.sem_alloc : memref<!tpu.dma_semaphore, #tpu.memory_space<semaphore_mem>>
      %dma_start3A = arith.constant 0 : i32
      %dma_start3A_18 = tpu.memref_slice %arg10[%add3A_12, %dma_start3A] : memref<10240x128xf32, #tpu.memory_space<vmem_shared>> -> memref<128x128xf32, #tpu.memory_space<vmem_shared>>
      %dma_start3A_19 = arith.constant 0 : i32
      %dma_start3A_20 = tpu.memref_slice %arg10[%add3A_12, %dma_start3A_19] : memref<10240x128xf32, #tpu.memory_space<vmem_shared>> -> memref<128x128xf32, #tpu.memory_space<vmem_shared>>
      tpu.enqueue_dma source(%arg7 : memref<128x128xf32, #tpu.memory_space<vmem>>) target(%dma_start3A_20 : memref<128x128xf32, #tpu.memory_space<vmem_shared>>) target_semaphore(%run_scoped3A : memref<!tpu.dma_semaphore, #tpu.memory_space<semaphore_mem>>)
      %dma_wait3A = arith.constant 0 : i32
      %dma_wait3A_21 = tpu.memref_slice %arg10[%add3A_12, %dma_wait3A] : memref<10240x128xf32, #tpu.memory_space<vmem_shared>> -> memref<128x128xf32, #tpu.memory_space<vmem_shared>>
      %dma_wait3A_22 = arith.constant 0 : i32
      %dma_wait3A_23 = tpu.memref_slice %arg10[%add3A_12, %dma_wait3A_22] : memref<10240x128xf32, #tpu.memory_space<vmem_shared>> -> memref<128x128xf32, #tpu.memory_space<vmem_shared>>
      tpu.wait_dma2 semaphore(%run_scoped3A : memref<!tpu.dma_semaphore, #tpu.memory_space<semaphore_mem>>) src(%arg7 : memref<128x128xf32, #tpu.memory_space<vmem>>) dst(%dma_wait3A_23 : memref<128x128xf32, #tpu.memory_space<vmem_shared>>)
      tpu.yield
    }) : () -> ()
    %barrier3A = arith.constant 0 : index
    tpu.barrier barrier_id(%barrier3A)
    %scan3A = arith.constant 0 : i32
    %scan3A_13 = arith.constant 10 : i32
    %scan3A_14 = arith.addi %scan3A, %scan3A_13 : i32
    %scan3A_15 = arith.constant 1 : i32
    scf.for %scan3A_18 = %scan3A to %scan3A_14 step %scan3A_15  : i32 {
      %mul3A_19 = arith.constant 1 : i32
      %mul3A_20 = arith.muli %scan3A_18, %mul3A_19 : i32
      %add3A_21 = arith.constant 0 : i32
      %add3A_22 = arith.addi %add3A_21, %mul3A_20 : i32
      %mul3A_23 = arith.constant 10 : i32
      %mul3A_24 = arith.muli %add3A, %mul3A_23 : i32
      %add3A_25 = arith.addi %mul3A_24, %add3A_22 : i32
      "tpu.region"() ({
        %run_scoped3A = tpu.sem_alloc : memref<!tpu.dma_semaphore, #tpu.memory_space<semaphore_mem>>
        %dma_start3A = arith.constant 0 : i32
        %dma_start3A_34 = arith.constant 0 : i32
        %dma_start3A_35 = tpu.memref_slice %arg3[%add3A_25, %dma_start3A, %dma_start3A_34] : memref<320x8x128xi32, #tpu.memory_space<hbm>> -> memref<1x8x128xi32, #tpu.memory_space<hbm>>
        %dma_start3A_36 = tpu.memref_squeeze %dma_start3A_35 : memref<1x8x128xi32, #tpu.memory_space<hbm>> -> memref<8x128xi32, #tpu.memory_space<hbm>>
        %dma_start3A_37 = arith.constant 0 : i32
        %dma_start3A_38 = arith.constant 0 : i32
        %dma_start3A_39 = tpu.memref_slice %arg3[%add3A_25, %dma_start3A_37, %dma_start3A_38] : memref<320x8x128xi32, #tpu.memory_space<hbm>> -> memref<1x8x128xi32, #tpu.memory_space<hbm>>
        %dma_start3A_40 = tpu.memref_squeeze %dma_start3A_39 : memref<1x8x128xi32, #tpu.memory_space<hbm>> -> memref<8x128xi32, #tpu.memory_space<hbm>>
        tpu.enqueue_dma source(%dma_start3A_40 : memref<8x128xi32, #tpu.memory_space<hbm>>) target(%arg8 : memref<8x128xi32, #tpu.memory_space<vmem>>) target_semaphore(%run_scoped3A : memref<!tpu.dma_semaphore, #tpu.memory_space<semaphore_mem>>)
        %dma_wait3A = arith.constant 0 : i32
        %dma_wait3A_41 = arith.constant 0 : i32
        %dma_wait3A_42 = tpu.memref_slice %arg3[%add3A_25, %dma_wait3A, %dma_wait3A_41] : memref<320x8x128xi32, #tpu.memory_space<hbm>> -> memref<1x8x128xi32, #tpu.memory_space<hbm>>
        %dma_wait3A_43 = tpu.memref_squeeze %dma_wait3A_42 : memref<1x8x128xi32, #tpu.memory_space<hbm>> -> memref<8x128xi32, #tpu.memory_space<hbm>>
        %dma_wait3A_44 = arith.constant 0 : i32
        %dma_wait3A_45 = arith.constant 0 : i32
        %dma_wait3A_46 = tpu.memref_slice %arg3[%add3A_25, %dma_wait3A_44, %dma_wait3A_45] : memref<320x8x128xi32, #tpu.memory_space<hbm>> -> memref<1x8x128xi32, #tpu.memory_space<hbm>>
        %dma_wait3A_47 = tpu.memref_squeeze %dma_wait3A_46 : memref<1x8x128xi32, #tpu.memory_space<hbm>> -> memref<8x128xi32, #tpu.memory_space<hbm>>
        tpu.wait_dma2 semaphore(%run_scoped3A : memref<!tpu.dma_semaphore, #tpu.memory_space<semaphore_mem>>) src(%dma_wait3A_47 : memref<8x128xi32, #tpu.memory_space<hbm>>) dst(%arg8 : memref<8x128xi32, #tpu.memory_space<vmem>>)
        tpu.yield
      }) : () -> ()
      %mul3A_26 = arith.constant 10 : i32
      %mul3A_27 = arith.muli %add3A, %mul3A_26 : i32
      %add3A_28 = arith.addi %mul3A_27, %add3A_22 : i32
      "tpu.region"() ({
        %run_scoped3A = tpu.sem_alloc : memref<!tpu.dma_semaphore, #tpu.memory_space<semaphore_mem>>
        %dma_start3A = arith.constant 0 : i32
        %dma_start3A_34 = arith.constant 0 : i32
        %dma_start3A_35 = tpu.memref_slice %arg4[%add3A_28, %dma_start3A, %dma_start3A_34] : memref<320x8x128xi32, #tpu.memory_space<hbm>> -> memref<1x8x128xi32, #tpu.memory_space<hbm>>
        %dma_start3A_36 = tpu.memref_squeeze %dma_start3A_35 : memref<1x8x128xi32, #tpu.memory_space<hbm>> -> memref<8x128xi32, #tpu.memory_space<hbm>>
        %dma_start3A_37 = arith.constant 0 : i32
        %dma_start3A_38 = arith.constant 0 : i32
        %dma_start3A_39 = tpu.memref_slice %arg4[%add3A_28, %dma_start3A_37, %dma_start3A_38] : memref<320x8x128xi32, #tpu.memory_space<hbm>> -> memref<1x8x128xi32, #tpu.memory_space<hbm>>
        %dma_start3A_40 = tpu.memref_squeeze %dma_start3A_39 : memref<1x8x128xi32, #tpu.memory_space<hbm>> -> memref<8x128xi32, #tpu.memory_space<hbm>>
        tpu.enqueue_dma source(%dma_start3A_40 : memref<8x128xi32, #tpu.memory_space<hbm>>) target(%arg9 : memref<8x128xi32, #tpu.memory_space<vmem>>) target_semaphore(%run_scoped3A : memref<!tpu.dma_semaphore, #tpu.memory_space<semaphore_mem>>)
        %dma_wait3A = arith.constant 0 : i32
        %dma_wait3A_41 = arith.constant 0 : i32
        %dma_wait3A_42 = tpu.memref_slice %arg4[%add3A_28, %dma_wait3A, %dma_wait3A_41] : memref<320x8x128xi32, #tpu.memory_space<hbm>> -> memref<1x8x128xi32, #tpu.memory_space<hbm>>
        %dma_wait3A_43 = tpu.memref_squeeze %dma_wait3A_42 : memref<1x8x128xi32, #tpu.memory_space<hbm>> -> memref<8x128xi32, #tpu.memory_space<hbm>>
        %dma_wait3A_44 = arith.constant 0 : i32
        %dma_wait3A_45 = arith.constant 0 : i32
        %dma_wait3A_46 = tpu.memref_slice %arg4[%add3A_28, %dma_wait3A_44, %dma_wait3A_45] : memref<320x8x128xi32, #tpu.memory_space<hbm>> -> memref<1x8x128xi32, #tpu.memory_space<hbm>>
        %dma_wait3A_47 = tpu.memref_squeeze %dma_wait3A_46 : memref<1x8x128xi32, #tpu.memory_space<hbm>> -> memref<8x128xi32, #tpu.memory_space<hbm>>
        tpu.wait_dma2 semaphore(%run_scoped3A : memref<!tpu.dma_semaphore, #tpu.memory_space<semaphore_mem>>) src(%dma_wait3A_47 : memref<8x128xi32, #tpu.memory_space<hbm>>) dst(%arg9 : memref<8x128xi32, #tpu.memory_space<vmem>>)
        tpu.yield
      }) : () -> ()
      %scan3A_29 = arith.constant 0 : i32
      %scan3A_30 = arith.constant 8 : i32
      %scan3A_31 = arith.addi %scan3A_29, %scan3A_30 : i32
      %scan3A_32 = arith.constant 1 : i32
      scf.for %scan3A_34 = %scan3A_29 to %scan3A_31 step %scan3A_32  : i32 {
        %mul3A_35 = arith.constant 1 : i32
        %mul3A_36 = arith.muli %scan3A_34, %mul3A_35 : i32
        %add3A_37 = arith.constant 0 : i32
        %add3A_38 = arith.addi %add3A_37, %mul3A_36 : i32
        "tpu.region"() ({
          %run_scoped3A = tpu.sem_alloc : memref<!tpu.dma_semaphore, #tpu.memory_space<semaphore_mem>>
          %dma_start3A = arith.constant 0 : i32
          %dma_start3A_39 = tpu.memref_slice %arg8[%add3A_38, %dma_start3A] : memref<8x128xi32, #tpu.memory_space<vmem>> -> memref<1x128xi32, #tpu.memory_space<vmem>>
          %dma_start3A_40 = tpu.memref_squeeze %dma_start3A_39 : memref<1x128xi32, #tpu.memory_space<vmem>> -> memref<128xi32, #tpu.memory_space<vmem>>
          %dma_start3A_41 = arith.constant 0 : i32
          %dma_start3A_42 = arith.constant 0 : i32
          %dma_start3A_43 = tpu.memref_slice %arg2[%dma_start3A_41, %dma_start3A_42] : memref<10000x128xf32, #tpu.memory_space<hbm>> -> memref<10000x128xf32, #tpu.memory_space<hbm>>
          tpu.enqueue_indirect_dma source(%dma_start3A_43 : memref<10000x128xf32, #tpu.memory_space<hbm>>) target(%arg7 : memref<128x128xf32, #tpu.memory_space<vmem>>) offsets(%dma_start3A_40 : memref<128xi32, #tpu.memory_space<vmem>>) semaphore(%run_scoped3A : memref<!tpu.dma_semaphore, #tpu.memory_space<semaphore_mem>>)
          %dma_wait3A = arith.constant 0 : i32
          %dma_wait3A_44 = tpu.memref_slice %arg8[%add3A_38, %dma_wait3A] : memref<8x128xi32, #tpu.memory_space<vmem>> -> memref<1x128xi32, #tpu.memory_space<vmem>>
          %dma_wait3A_45 = tpu.memref_squeeze %dma_wait3A_44 : memref<1x128xi32, #tpu.memory_space<vmem>> -> memref<128xi32, #tpu.memory_space<vmem>>
          %dma_wait3A_46 = arith.constant 0 : i32
          %dma_wait3A_47 = arith.constant 0 : i32
          %dma_wait3A_48 = tpu.memref_slice %arg2[%dma_wait3A_46, %dma_wait3A_47] : memref<10000x128xf32, #tpu.memory_space<hbm>> -> memref<10000x128xf32, #tpu.memory_space<hbm>>
          tpu.wait_indirect_dma semaphore(%run_scoped3A : memref<!tpu.dma_semaphore, #tpu.memory_space<semaphore_mem>>) src(%dma_wait3A_48 : memref<10000x128xf32, #tpu.memory_space<hbm>>) dst(%arg7 : memref<128x128xf32, #tpu.memory_space<vmem>>)
          tpu.yield
        }) : () -> ()
        "tpu.region"() ({
          %run_scoped3A = tpu.sem_alloc : memref<!tpu.dma_semaphore, #tpu.memory_space<semaphore_mem>>
          %dma_start3A = arith.constant 0 : i32
          %dma_start3A_39 = tpu.memref_slice %arg9[%add3A_38, %dma_start3A] : memref<8x128xi32, #tpu.memory_space<vmem>> -> memref<1x128xi32, #tpu.memory_space<vmem>>
          %dma_start3A_40 = tpu.memref_squeeze %dma_start3A_39 : memref<1x128xi32, #tpu.memory_space<vmem>> -> memref<128xi32, #tpu.memory_space<vmem>>
          %dma_start3A_41 = arith.constant 0 : i32
          %dma_start3A_42 = arith.constant 0 : i32
          %dma_start3A_43 = tpu.memref_slice %arg10[%dma_start3A_41, %dma_start3A_42] : memref<10240x128xf32, #tpu.memory_space<vmem_shared>> -> memref<10240x128xf32, #tpu.memory_space<vmem_shared>>
          tpu.enqueue_indirect_dma source(%arg7 : memref<128x128xf32, #tpu.memory_space<vmem>>) target(%dma_start3A_43 : memref<10240x128xf32, #tpu.memory_space<vmem_shared>>) offsets(%dma_start3A_40 : memref<128xi32, #tpu.memory_space<vmem>>) semaphore(%run_scoped3A : memref<!tpu.dma_semaphore, #tpu.memory_space<semaphore_mem>>) {add = true}
          %dma_wait3A = arith.constant 0 : i32
          %dma_wait3A_44 = tpu.memref_slice %arg9[%add3A_38, %dma_wait3A] : memref<8x128xi32, #tpu.memory_space<vmem>> -> memref<1x128xi32, #tpu.memory_space<vmem>>
          %dma_wait3A_45 = tpu.memref_squeeze %dma_wait3A_44 : memref<1x128xi32, #tpu.memory_space<vmem>> -> memref<128xi32, #tpu.memory_space<vmem>>
          %dma_wait3A_46 = arith.constant 0 : i32
          %dma_wait3A_47 = arith.constant 0 : i32
          %dma_wait3A_48 = tpu.memref_slice %arg10[%dma_wait3A_46, %dma_wait3A_47] : memref<10240x128xf32, #tpu.memory_space<vmem_shared>> -> memref<10240x128xf32, #tpu.memory_space<vmem_shared>>
          tpu.wait_indirect_dma semaphore(%run_scoped3A : memref<!tpu.dma_semaphore, #tpu.memory_space<semaphore_mem>>) src(%arg7 : memref<128x128xf32, #tpu.memory_space<vmem>>) dst(%dma_wait3A_48 : memref<10240x128xf32, #tpu.memory_space<vmem_shared>>)
          tpu.yield
        }) : () -> ()
      }
      %scan3A_33 = arith.constant 8 : i32
    }
    %scan3A_16 = arith.constant 10 : i32
    %barrier3A_17 = arith.constant 0 : index
    tpu.barrier barrier_id(%barrier3A_17)
    "tpu.region"() ({
      %run_scoped3A = tpu.sem_alloc : memref<!tpu.dma_semaphore, #tpu.memory_space<semaphore_mem>>
      %dma_start3A = arith.constant 0 : i32
      %dma_start3A_18 = tpu.memref_slice %arg6[%arg0, %mul3A_2, %dma_start3A] : memref<2x10240x128xf32, #tpu.memory_space<hbm>> -> memref<1x640x128xf32, #tpu.memory_space<hbm>>
      %dma_start3A_19 = tpu.memref_squeeze %dma_start3A_18 : memref<1x640x128xf32, #tpu.memory_space<hbm>> -> memref<640x128xf32, #tpu.memory_space<hbm>>
      %dma_start3A_20 = arith.constant 0 : i32
      %dma_start3A_21 = tpu.memref_slice %arg10[%mul3A_2, %dma_start3A_20] : memref<10240x128xf32, #tpu.memory_space<vmem_shared>> -> memref<640x128xf32, #tpu.memory_space<vmem_shared>>
      tpu.enqueue_dma source(%dma_start3A_21 : memref<640x128xf32, #tpu.memory_space<vmem_shared>>) target(%dma_start3A_19 : memref<640x128xf32, #tpu.memory_space<hbm>>) target_semaphore(%run_scoped3A : memref<!tpu.dma_semaphore, #tpu.memory_space<semaphore_mem>>)
      %dma_wait3A = arith.constant 0 : i32
      %dma_wait3A_22 = tpu.memref_slice %arg6[%arg0, %mul3A_2, %dma_wait3A] : memref<2x10240x128xf32, #tpu.memory_space<hbm>> -> memref<1x640x128xf32, #tpu.memory_space<hbm>>
      %dma_wait3A_23 = tpu.memref_squeeze %dma_wait3A_22 : memref<1x640x128xf32, #tpu.memory_space<hbm>> -> memref<640x128xf32, #tpu.memory_space<hbm>>
      %dma_wait3A_24 = arith.constant 0 : i32
      %dma_wait3A_25 = tpu.memref_slice %arg10[%mul3A_2, %dma_wait3A_24] : memref<10240x128xf32, #tpu.memory_space<vmem_shared>> -> memref<640x128xf32, #tpu.memory_space<vmem_shared>>
      tpu.wait_dma2 semaphore(%run_scoped3A : memref<!tpu.dma_semaphore, #tpu.memory_space<semaphore_mem>>) src(%dma_wait3A_25 : memref<640x128xf32, #tpu.memory_space<vmem_shared>>) dst(%dma_wait3A_23 : memref<640x128xf32, #tpu.memory_space<hbm>>)
      tpu.yield
    }) : () -> ()
    return
  }
}

module attributes {stable_mosaic.version = 14 : i64} {
  func.func @_proj_body(%arg0: i32, %arg1: memref<1024x128xf32, #tpu.memory_space<vmem>>, %arg2: memref<128x128xf32, #tpu.memory_space<vmem>>, %arg3: memref<1x128xf32, #tpu.memory_space<vmem>>, %arg4: memref<1024x128xf32, #tpu.memory_space<vmem>>) attributes {dimension_semantics = [#tpu.dimension_semantics<arbitrary>], iteration_bounds = array<i64: 10>, scalar_prefetch = 0 : i64, scratch_operands = 0 : i64, tpu.core_type = #tpu.core_type<tc>, window_params = [{transform_indices = @transform_0, window_bounds = array<i64: 1024, 128>}, {pipeline_mode = #tpu.pipeline_mode<synchronous>, transform_indices = @transform_1, window_bounds = array<i64: 128, 128>}, {pipeline_mode = #tpu.pipeline_mode<synchronous>, transform_indices = @transform_2, window_bounds = array<i64: 1, 128>}, {transform_indices = @transform_3, window_bounds = array<i64: 1024, 128>}]} {
    %get3A = arith.constant 0 : index
    %get3A_0 = arith.constant 0 : index
    %get3A_1 = vector.load %arg1[%get3A, %get3A_0] : memref<1024x128xf32, #tpu.memory_space<vmem>>, vector<1024x128xf32>
    %get3A_2 = arith.constant 0 : index
    %get3A_3 = arith.constant 0 : index
    %get3A_4 = vector.load %arg2[%get3A_2, %get3A_3] : memref<128x128xf32, #tpu.memory_space<vmem>>, vector<128x128xf32>
    %dot_general3A = arith.constant dense<0.000000e+00> : vector<1024x128xf32>
    %dot_general3A_5 = tpu.matmul %get3A_1, %get3A_4, %dot_general3A {dimension_numbers = #tpu.dot_dimension_numbers<[1], [0], [0], [1], [0, 0, 1, 1], [], []>, transpose_lhs_hint = false} : vector<1024x128xf32>, vector<128x128xf32>, vector<1024x128xf32> -> vector<1024x128xf32>
    %get3A_6 = arith.constant 0 : index
    %get3A_7 = arith.constant 0 : index
    %get3A_8 = vector.load %arg3[%get3A_6, %get3A_7] : memref<1x128xf32, #tpu.memory_space<vmem>>, vector<1x128xf32>
    %add3A = vector.broadcast %get3A_8 : vector<1x128xf32> to vector<1024x128xf32>
    %add3A_9 = arith.addf %dot_general3A_5, %add3A : vector<1024x128xf32>
    %max3A = arith.constant 0.000000e+00 : f32
    %max3A_10 = vector.broadcast %max3A : f32 to vector<1024x128xf32>
    %max3A_11 = arith.maximumf %add3A_9, %max3A_10 : vector<1024x128xf32>
    %swap3A = arith.constant 0 : index
    %swap3A_12 = arith.constant 0 : index
    %swap3A_13 = vector.load %arg4[%swap3A, %swap3A_12] : memref<1024x128xf32, #tpu.memory_space<vmem>>, vector<1024x128xf32>
    tpu.vector_store %arg4[%swap3A, %swap3A_12], %max3A_11 {strides = array<i32>} : memref<1024x128xf32, #tpu.memory_space<vmem>>, vector<1024x128xf32>,
    return
  }
  func.func @transform_0(%arg0: i32) -> (i32, i32) {
    %c0_i32 = arith.constant 0 : i32
    %c0_i32_0 = arith.constant 0 : i32
    return %arg0, %c0_i32 : i32, i32
  }
  func.func @transform_1(%arg0: i32) -> (i32, i32) {
    %c0_i32 = arith.constant 0 : i32
    %c0_i32_0 = arith.constant 0 : i32
    %c0_i32_1 = arith.constant 0 : i32
    return %c0_i32, %c0_i32_0 : i32, i32
  }
  func.func @transform_2(%arg0: i32) -> (i32, i32) {
    %c0_i32 = arith.constant 0 : i32
    %c0_i32_0 = arith.constant 0 : i32
    %c0_i32_1 = arith.constant 0 : i32
    return %c0_i32, %c0_i32_0 : i32, i32
  }
  func.func @transform_3(%arg0: i32) -> (i32, i32) {
    %c0_i32 = arith.constant 0 : i32
    %c0_i32_0 = arith.constant 0 : i32
    return %arg0, %c0_i32 : i32, i32
  }
}

module attributes {stable_mosaic.version = 14 : i64} {
  func.func @_cnt_body(%arg0: i32, %arg1: memref<8192x1xi32, #tpu.memory_space<vmem>>, %arg2: memref<128x128xf32, #tpu.memory_space<vmem>>) attributes {dimension_semantics = [#tpu.dimension_semantics<arbitrary>], iteration_bounds = array<i64: 40>, scalar_prefetch = 0 : i64, scratch_operands = 0 : i64, tpu.core_type = #tpu.core_type<tc>, window_params = [{transform_indices = @transform_0, window_bounds = array<i64: 8192, 1>}, {pipeline_mode = #tpu.pipeline_mode<synchronous>, transform_indices = @transform_1, window_bounds = array<i64: 128, 128>}]} {
    %get3A = arith.constant 0 : index
    %get3A_0 = arith.constant 0 : index
    %get3A_1 = vector.load %arg1[%get3A, %get3A_0] : memref<8192x1xi32, #tpu.memory_space<vmem>>, vector<8192x1xi32>
    %shift_right_logical3A = arith.constant 7 : i32
    %shift_right_logical3A_2 = vector.broadcast %shift_right_logical3A : i32 to vector<8192x1xi32>
    %shift_right_logical3A_3 = arith.shrui %get3A_1, %shift_right_logical3A_2 : vector<8192x1xi32>
    %and3A = arith.constant 127 : i32
    %and3A_4 = vector.broadcast %and3A : i32 to vector<8192x1xi32>
    %and3A_5 = arith.andi %get3A_1, %and3A_4 : vector<8192x1xi32>
    %iota3A = tpu.iota {dimensions = array<i32: 1>} : vector<1x128xi32>
    %eq3A = vector.broadcast %shift_right_logical3A_3 : vector<8192x1xi32> to vector<8192x128xi32>
    %eq3A_6 = vector.broadcast %iota3A : vector<1x128xi32> to vector<8192x128xi32>
    %eq3A_7 = arith.cmpi eq, %eq3A, %eq3A_6 : vector<8192x128xi32>
    %jit3A = arith.constant 1.000000e+00 : f32
    %jit3A_8 = arith.constant 0.000000e+00 : f32
    %broadcast_in_dim3A = vector.broadcast %jit3A : f32 to vector<8192x128xf32>
    %broadcast_in_dim3A_9 = vector.broadcast %jit3A_8 : f32 to vector<8192x128xf32>
    %select_n3A = arith.select %eq3A_7, %broadcast_in_dim3A, %broadcast_in_dim3A_9 : vector<8192x128xi1>, vector<8192x128xf32>
    %eq3A_10 = vector.broadcast %and3A_5 : vector<8192x1xi32> to vector<8192x128xi32>
    %eq3A_11 = vector.broadcast %iota3A : vector<1x128xi32> to vector<8192x128xi32>
    %eq3A_12 = arith.cmpi eq, %eq3A_10, %eq3A_11 : vector<8192x128xi32>
    %jit3A_13 = arith.constant 1.000000e+00 : f32
    %jit3A_14 = arith.constant 0.000000e+00 : f32
    %broadcast_in_dim3A_15 = vector.broadcast %jit3A_13 : f32 to vector<8192x128xf32>
    %broadcast_in_dim3A_16 = vector.broadcast %jit3A_14 : f32 to vector<8192x128xf32>
    %select_n3A_17 = arith.select %eq3A_12, %broadcast_in_dim3A_15, %broadcast_in_dim3A_16 : vector<8192x128xi1>, vector<8192x128xf32>
    %dot_general3A = arith.constant dense<0.000000e+00> : vector<128x128xf32>
    %dot_general3A_18 = tpu.matmul %select_n3A, %select_n3A_17, %dot_general3A {dimension_numbers = #tpu.dot_dimension_numbers<[0], [0], [1], [1], [0, 1, 1, 1], [], []>, transpose_lhs_hint = false} : vector<8192x128xf32>, vector<8192x128xf32>, vector<128x128xf32> -> vector<128x128xf32>
    %eq3A_19 = arith.constant 0 : i32
    %eq3A_20 = arith.cmpi eq, %arg0, %eq3A_19 : i32
    %convert_element_type3A = arith.extui %eq3A_20 : i1 to i32
    %cond3A = arith.constant 0 : i32
    %cond3A_21 = arith.cmpi ne, %convert_element_type3A, %cond3A : i32
    scf.if %cond3A_21 {
      %broadcast_in_dim3A_27 = arith.constant 0.000000e+00 : f32
      %broadcast_in_dim3A_28 = vector.broadcast %broadcast_in_dim3A_27 : f32 to vector<128x128xf32>
      %swap3A_29 = arith.constant 0 : index
      %swap3A_30 = arith.constant 0 : index
      %swap3A_31 = vector.load %arg2[%swap3A_29, %swap3A_30] : memref<128x128xf32, #tpu.memory_space<vmem>>, vector<128x128xf32>
      tpu.vector_store %arg2[%swap3A_29, %swap3A_30], %broadcast_in_dim3A_28 {strides = array<i32>} : memref<128x128xf32, #tpu.memory_space<vmem>>, vector<128x128xf32>,
    } else {
    }
    %get3A_22 = arith.constant 0 : index
    %get3A_23 = arith.constant 0 : index
    %get3A_24 = vector.load %arg2[%get3A_22, %get3A_23] : memref<128x128xf32, #tpu.memory_space<vmem>>, vector<128x128xf32>
    %add3A = arith.addf %get3A_24, %dot_general3A_18 : vector<128x128xf32>
    %swap3A = arith.constant 0 : index
    %swap3A_25 = arith.constant 0 : index
    %swap3A_26 = vector.load %arg2[%swap3A, %swap3A_25] : memref<128x128xf32, #tpu.memory_space<vmem>>, vector<128x128xf32>
    tpu.vector_store %arg2[%swap3A, %swap3A_25], %add3A {strides = array<i32>} : memref<128x128xf32, #tpu.memory_space<vmem>>, vector<128x128xf32>,
    return
  }
  func.func @transform_0(%arg0: i32) -> (i32, i32) {
    %c0_i32 = arith.constant 0 : i32
    %c0_i32_0 = arith.constant 0 : i32
    return %arg0, %c0_i32 : i32, i32
  }
  func.func @transform_1(%arg0: i32) -> (i32, i32) {
    %c0_i32 = arith.constant 0 : i32
    %c0_i32_0 = arith.constant 0 : i32
    %c0_i32_1 = arith.constant 0 : i32
    return %c0_i32, %c0_i32_0 : i32, i32
  }
}

module attributes {stable_mosaic.version = 14 : i64} {
  func.func @_merge0_body(%arg0: i32, %arg1: memref<2x1024x128xf32, #tpu.memory_space<vmem>>, %arg2: memref<8x128xf32, #tpu.memory_space<vmem>>, %arg3: memref<1024x128xf32, #tpu.memory_space<vmem>>, %arg4: memref<128x128xf32, #tpu.memory_space<vmem>>, %arg5: memref<1x128xf32, #tpu.memory_space<vmem>>, %arg6: memref<128x128xf32, #tpu.memory_space<vmem>>, %arg7: memref<1024x128xf32, #tpu.memory_space<vmem>>) attributes {dimension_semantics = [#tpu.dimension_semantics<arbitrary>], iteration_bounds = array<i64: 10>, scalar_prefetch = 0 : i64, scratch_operands = 0 : i64, tpu.core_type = #tpu.core_type<tc>, window_params = [{transform_indices = @transform_0, window_bounds = array<i64: 2, 1024, 128>}, {transform_indices = @transform_1, window_bounds = array<i64: 8, 128>}, {transform_indices = @transform_2, window_bounds = array<i64: 1024, 128>}, {pipeline_mode = #tpu.pipeline_mode<synchronous>, transform_indices = @transform_3, window_bounds = array<i64: 128, 128>}, {pipeline_mode = #tpu.pipeline_mode<synchronous>, transform_indices = @transform_4, window_bounds = array<i64: 1, 128>}, {pipeline_mode = #tpu.pipeline_mode<synchronous>, transform_indices = @transform_5, window_bounds = array<i64: 128, 128>}, {transform_indices = @transform_6, window_bounds = array<i64: 1024, 128>}]} {
    %get3A = arith.constant 0 : index
    %get3A_0 = arith.constant 0 : index
    %get3A_1 = arith.constant 0 : index
    %get3A_2 = vector.load %arg1[%get3A, %get3A_0, %get3A_1] : memref<2x1024x128xf32, #tpu.memory_space<vmem>>, vector<1x1024x128xf32>
    %get3A_3 = vector.shape_cast %get3A_2 : vector<1x1024x128xf32> to vector<1024x128xf32>
    %get3A_4 = arith.constant 1 : index
    %get3A_5 = arith.constant 0 : index
    %get3A_6 = arith.constant 0 : index
    %get3A_7 = vector.load %arg1[%get3A_4, %get3A_5, %get3A_6] : memref<2x1024x128xf32, #tpu.memory_space<vmem>>, vector<1x1024x128xf32>
    %get3A_8 = vector.shape_cast %get3A_7 : vector<1x1024x128xf32> to vector<1024x128xf32>
    %add3A = arith.addf %get3A_3, %get3A_8 : vector<1024x128xf32>
    %get3A_9 = arith.constant 0 : index
    %get3A_10 = arith.constant 0 : index
    %get3A_11 = vector.load %arg2[%get3A_9, %get3A_10] : memref<8x128xf32, #tpu.memory_space<vmem>>, vector<8x128xf32>
    %iota3A = tpu.iota {dimensions = array<i32: 0>} : vector<1024x8xi32>
    %jit3A = arith.constant 128 : i32
    %div3A = vector.broadcast %jit3A : i32 to vector<1024x8xi32>
    %div3A_12 = arith.divsi %iota3A, %div3A : vector<1024x8xi32>
    %sign3A = arith.constant 0 : i32
    %sign3A_13 = vector.broadcast %sign3A : i32 to vector<1024x8xi32>
    %sign3A_14 = arith.cmpi sgt, %iota3A, %sign3A_13 : vector<1024x8xi32>
    %sign3A_15 = arith.extui %sign3A_14 : vector<1024x8xi1> to vector<1024x8xi32>
    %sign3A_16 = arith.constant 0 : i32
    %sign3A_17 = vector.broadcast %sign3A_16 : i32 to vector<1024x8xi32>
    %sign3A_18 = arith.cmpi slt, %iota3A, %sign3A_17 : vector<1024x8xi32>
    %sign3A_19 = arith.extui %sign3A_18 : vector<1024x8xi1> to vector<1024x8xi32>
    %sign3A_20 = arith.subi %sign3A_15, %sign3A_19 : vector<1024x8xi32>
    %sign3A_21 = arith.constant 0 : i32
    %sign3A_22 = arith.cmpi sgt, %jit3A, %sign3A_21 : i32
    %sign3A_23 = arith.extui %sign3A_22 : i1 to i32
    %sign3A_24 = arith.constant 0 : i32
    %sign3A_25 = arith.cmpi slt, %jit3A, %sign3A_24 : i32
    %sign3A_26 = arith.extui %sign3A_25 : i1 to i32
    %sign3A_27 = arith.subi %sign3A_23, %sign3A_26 : i32
    %ne3A = vector.broadcast %sign3A_27 : i32 to vector<1024x8xi32>
    %ne3A_28 = arith.cmpi ne, %sign3A_20, %ne3A : vector<1024x8xi32>
    %rem3A = vector.broadcast %jit3A : i32 to vector<1024x8xi32>
    %rem3A_29 = arith.remsi %iota3A, %rem3A : vector<1024x8xi32>
    %ne3A_30 = arith.constant 0 : i32
    %ne3A_31 = vector.broadcast %ne3A_30 : i32 to vector<1024x8xi32>
    %ne3A_32 = arith.cmpi ne, %rem3A_29, %ne3A_31 : vector<1024x8xi32>
    %and3A = arith.andi %ne3A_28, %ne3A_32 : vector<1024x8xi1>
    %sub3A = arith.constant 1 : i32
    %sub3A_33 = vector.broadcast %sub3A : i32 to vector<1024x8xi32>
    %sub3A_34 = arith.subi %div3A_12, %sub3A_33 : vector<1024x8xi32>
    %select_n3A = arith.select %and3A, %sub3A_34, %div3A_12 : vector<1024x8xi1>, vector<1024x8xi32>
    %iota3A_35 = tpu.iota {dimensions = array<i32: 1>} : vector<1024x8xi32>
    %eq3A = arith.cmpi eq, %select_n3A, %iota3A_35 : vector<1024x8xi32>
    %jit3A_36 = arith.constant 1.000000e+00 : f32
    %jit3A_37 = arith.constant 0.000000e+00 : f32
    %broadcast_in_dim3A = vector.broadcast %jit3A_36 : f32 to vector<1024x8xf32>
    %broadcast_in_dim3A_38 = vector.broadcast %jit3A_37 : f32 to vector<1024x8xf32>
    %select_n3A_39 = arith.select %eq3A, %broadcast_in_dim3A, %broadcast_in_dim3A_38 : vector<1024x8xi1>, vector<1024x8xf32>
    %dot_general3A = arith.constant dense<0.000000e+00> : vector<1024x128xf32>
    %dot_general3A_40 = tpu.matmul %select_n3A_39, %get3A_11, %dot_general3A {dimension_numbers = #tpu.dot_dimension_numbers<[1], [0], [0], [1], [0, 0, 1, 1], [], []>, transpose_lhs_hint = false} : vector<1024x8xf32>, vector<8x128xf32>, vector<1024x128xf32> -> vector<1024x128xf32>
    %iota3A_41 = tpu.iota {dimensions = array<i32: 0>} : vector<1024x128xi32>
    %jit3A_42 = arith.constant 128 : i32
    %eq3A_43 = arith.constant 0 : i32
    %eq3A_44 = arith.cmpi eq, %jit3A_42, %eq3A_43 : i32
    %jit3A_45 = arith.constant 1 : i32
    %select_n3A_46 = arith.select %eq3A_44, %jit3A_45, %jit3A_42 : i32
    %rem3A_47 = vector.broadcast %select_n3A_46 : i32 to vector<1024x128xi32>
    %rem3A_48 = arith.remsi %iota3A_41, %rem3A_47 : vector<1024x128xi32>
    %ne3A_49 = arith.constant 0 : i32
    %ne3A_50 = vector.broadcast %ne3A_49 : i32 to vector<1024x128xi32>
    %ne3A_51 = arith.cmpi ne, %rem3A_48, %ne3A_50 : vector<1024x128xi32>
    %lt3A = arith.constant 0 : i32
    %lt3A_52 = vector.broadcast %lt3A : i32 to vector<1024x128xi32>
    %lt3A_53 = arith.cmpi slt, %rem3A_48, %lt3A_52 : vector<1024x128xi32>
    %lt3A_54 = arith.constant 0 : i32
    %lt3A_55 = arith.cmpi slt, %select_n3A_46, %lt3A_54 : i32
    %ne3A_56 = vector.broadcast %lt3A_55 : i1 to vector<1024x128xi1>
    %ne3A_57 = vector.broadcast %ne3A_56 : vector<1024x128xi1> to vector<1024x128xi1>
    %ne3A_58 = arith.xori %lt3A_53, %ne3A_57 : vector<1024x128xi1>
    %and3A_59 = arith.andi %ne3A_58, %ne3A_51 : vector<1024x128xi1>
    %add3A_60 = vector.broadcast %select_n3A_46 : i32 to vector<1024x128xi32>
    %add3A_61 = arith.addi %rem3A_48, %add3A_60 : vector<1024x128xi32>
    %select_n3A_62 = arith.select %and3A_59, %add3A_61, %rem3A_48 : vector<1024x128xi1>, vector<1024x128xi32>
    %iota3A_63 = tpu.iota {dimensions = array<i32: 1>} : vector<1024x128xi32>
    %eq3A_64 = arith.cmpi eq, %select_n3A_62, %iota3A_63 : vector<1024x128xi32>
    %jit3A_65 = arith.constant 1.000000e+00 : f32
    %jit3A_66 = arith.constant 0.000000e+00 : f32
    %broadcast_in_dim3A_67 = vector.broadcast %jit3A_65 : f32 to vector<1024x128xf32>
    %broadcast_in_dim3A_68 = vector.broadcast %jit3A_66 : f32 to vector<1024x128xf32>
    %select_n3A_69 = arith.select %eq3A_64, %broadcast_in_dim3A_67, %broadcast_in_dim3A_68 : vector<1024x128xi1>, vector<1024x128xf32>
    %mul3A = arith.mulf %dot_general3A_40, %select_n3A_69 : vector<1024x128xf32>
    %reduce_sum3A = arith.constant dense<0.000000e+00> : vector<1024xf32>
    %reduce_sum3A_70 = vector.multi_reduction <add>, %mul3A, %reduce_sum3A [1] : vector<1024x128xf32> to vector<1024xf32>
    %broadcast_in_dim3A_71 = vector.shape_cast %reduce_sum3A_70 : vector<1024xf32> to vector<1024x1xf32>
    %max3A = arith.constant 1.000000e+00 : f32
    %max3A_72 = vector.broadcast %max3A : f32 to vector<1024x1xf32>
    %max3A_73 = arith.maximumf %broadcast_in_dim3A_71, %max3A_72 : vector<1024x1xf32>
    %div3A_74 = vector.broadcast %max3A_73 : vector<1024x1xf32> to vector<1024x128xf32>
    %div3A_75 = arith.divf %add3A, %div3A_74 : vector<1024x128xf32>
    %get3A_76 = arith.constant 0 : index
    %get3A_77 = arith.constant 0 : index
    %get3A_78 = vector.load %arg4[%get3A_76, %get3A_77] : memref<128x128xf32, #tpu.memory_space<vmem>>, vector<128x128xf32>
    %dot_general3A_79 = arith.constant dense<0.000000e+00> : vector<1024x128xf32>
    %dot_general3A_80 = tpu.matmul %div3A_75, %get3A_78, %dot_general3A_79 {dimension_numbers = #tpu.dot_dimension_numbers<[1], [0], [0], [1], [0, 0, 1, 1], [], []>, transpose_lhs_hint = false} : vector<1024x128xf32>, vector<128x128xf32>, vector<1024x128xf32> -> vector<1024x128xf32>
    %get3A_81 = arith.constant 0 : index
    %get3A_82 = arith.constant 0 : index
    %get3A_83 = vector.load %arg5[%get3A_81, %get3A_82] : memref<1x128xf32, #tpu.memory_space<vmem>>, vector<1x128xf32>
    %add3A_84 = vector.broadcast %get3A_83 : vector<1x128xf32> to vector<1024x128xf32>
    %add3A_85 = arith.addf %dot_general3A_80, %add3A_84 : vector<1024x128xf32>
    %get3A_86 = arith.constant 0 : index
    %get3A_87 = arith.constant 0 : index
    %get3A_88 = vector.load %arg3[%get3A_86, %get3A_87] : memref<1024x128xf32, #tpu.memory_space<vmem>>, vector<1024x128xf32>
    %get3A_89 = arith.constant 0 : index
    %get3A_90 = arith.constant 0 : index
    %get3A_91 = vector.load %arg6[%get3A_89, %get3A_90] : memref<128x128xf32, #tpu.memory_space<vmem>>, vector<128x128xf32>
    %dot_general3A_92 = arith.constant dense<0.000000e+00> : vector<1024x128xf32>
    %dot_general3A_93 = tpu.matmul %get3A_88, %get3A_91, %dot_general3A_92 {dimension_numbers = #tpu.dot_dimension_numbers<[1], [0], [0], [1], [0, 0, 1, 1], [], []>, transpose_lhs_hint = false} : vector<1024x128xf32>, vector<128x128xf32>, vector<1024x128xf32> -> vector<1024x128xf32>
    %add3A_94 = arith.addf %add3A_85, %dot_general3A_93 : vector<1024x128xf32>
    %max3A_95 = arith.constant 0.000000e+00 : f32
    %max3A_96 = vector.broadcast %max3A_95 : f32 to vector<1024x128xf32>
    %max3A_97 = arith.maximumf %add3A_94, %max3A_96 : vector<1024x128xf32>
    %swap3A = arith.constant 0 : index
    %swap3A_98 = arith.constant 0 : index
    %swap3A_99 = vector.load %arg7[%swap3A, %swap3A_98] : memref<1024x128xf32, #tpu.memory_space<vmem>>, vector<1024x128xf32>
    tpu.vector_store %arg7[%swap3A, %swap3A_98], %max3A_97 {strides = array<i32>} : memref<1024x128xf32, #tpu.memory_space<vmem>>, vector<1024x128xf32>,
    return
  }
  func.func @transform_0(%arg0: i32) -> (i32, i32, i32) {
    %c0_i32 = arith.constant 0 : i32
    %c0_i32_0 = arith.constant 0 : i32
    %c0_i32_1 = arith.constant 0 : i32
    return %c0_i32, %arg0, %c0_i32_0 : i32, i32, i32
  }
  func.func @transform_1(%arg0: i32) -> (i32, i32) {
    %c0_i32 = arith.constant 0 : i32
    %c0_i32_0 = arith.constant 0 : i32
    return %arg0, %c0_i32 : i32, i32
  }
  func.func @transform_2(%arg0: i32) -> (i32, i32) {
    %c0_i32 = arith.constant 0 : i32
    %c0_i32_0 = arith.constant 0 : i32
    return %arg0, %c0_i32 : i32, i32
  }
  func.func @transform_3(%arg0: i32) -> (i32, i32) {
    %c0_i32 = arith.constant 0 : i32
    %c0_i32_0 = arith.constant 0 : i32
    %c0_i32_1 = arith.constant 0 : i32
    return %c0_i32, %c0_i32_0 : i32, i32
  }
  func.func @transform_4(%arg0: i32) -> (i32, i32) {
    %c0_i32 = arith.constant 0 : i32
    %c0_i32_0 = arith.constant 0 : i32
    %c0_i32_1 = arith.constant 0 : i32
    return %c0_i32, %c0_i32_0 : i32, i32
  }
  func.func @transform_5(%arg0: i32) -> (i32, i32) {
    %c0_i32 = arith.constant 0 : i32
    %c0_i32_0 = arith.constant 0 : i32
    %c0_i32_1 = arith.constant 0 : i32
    return %c0_i32, %c0_i32_0 : i32, i32
  }
  func.func @transform_6(%arg0: i32) -> (i32, i32) {
    %c0_i32 = arith.constant 0 : i32
    %c0_i32_0 = arith.constant 0 : i32
    return %arg0, %c0_i32 : i32, i32
  }
}

module attributes {stable_mosaic.version = 14 : i64} {
  func.func @_r1_body(%arg0: i32, %arg1: memref<1024x128xf32, #tpu.memory_space<vmem>>, %arg2: memref<128x64xf32, #tpu.memory_space<vmem>>, %arg3: memref<1x64xf32, #tpu.memory_space<vmem>>, %arg4: memref<1024x64xf32, #tpu.memory_space<vmem>>) attributes {dimension_semantics = [#tpu.dimension_semantics<arbitrary>], iteration_bounds = array<i64: 10>, scalar_prefetch = 0 : i64, scratch_operands = 0 : i64, tpu.core_type = #tpu.core_type<tc>, window_params = [{transform_indices = @transform_0, window_bounds = array<i64: 1024, 128>}, {pipeline_mode = #tpu.pipeline_mode<synchronous>, transform_indices = @transform_1, window_bounds = array<i64: 128, 64>}, {pipeline_mode = #tpu.pipeline_mode<synchronous>, transform_indices = @transform_2, window_bounds = array<i64: 1, 64>}, {transform_indices = @transform_3, window_bounds = array<i64: 1024, 64>}]} {
    %get3A = arith.constant 0 : index
    %get3A_0 = arith.constant 0 : index
    %get3A_1 = vector.load %arg1[%get3A, %get3A_0] : memref<1024x128xf32, #tpu.memory_space<vmem>>, vector<1024x128xf32>
    %get3A_2 = arith.constant 0 : index
    %get3A_3 = arith.constant 0 : index
    %get3A_4 = vector.load %arg2[%get3A_2, %get3A_3] : memref<128x64xf32, #tpu.memory_space<vmem>>, vector<128x64xf32>
    %dot_general3A = arith.constant dense<0.000000e+00> : vector<1024x64xf32>
    %dot_general3A_5 = tpu.matmul %get3A_1, %get3A_4, %dot_general3A {dimension_numbers = #tpu.dot_dimension_numbers<[1], [0], [0], [1], [0, 0, 1, 1], [], []>, transpose_lhs_hint = false} : vector<1024x128xf32>, vector<128x64xf32>, vector<1024x64xf32> -> vector<1024x64xf32>
    %get3A_6 = arith.constant 0 : index
    %get3A_7 = arith.constant 0 : index
    %get3A_8 = vector.load %arg3[%get3A_6, %get3A_7] : memref<1x64xf32, #tpu.memory_space<vmem>>, vector<1x64xf32>
    %add3A = vector.broadcast %get3A_8 : vector<1x64xf32> to vector<1024x64xf32>
    %add3A_9 = arith.addf %dot_general3A_5, %add3A : vector<1024x64xf32>
    %swap3A = arith.constant 0 : index
    %swap3A_10 = arith.constant 0 : index
    %swap3A_11 = vector.load %arg4[%swap3A, %swap3A_10] : memref<1024x64xf32, #tpu.memory_space<vmem>>, vector<1024x64xf32>
    tpu.vector_store %arg4[%swap3A, %swap3A_10], %add3A_9 {strides = array<i32>} : memref<1024x64xf32, #tpu.memory_space<vmem>>, vector<1024x64xf32>,
    return
  }
  func.func @transform_0(%arg0: i32) -> (i32, i32) {
    %c0_i32 = arith.constant 0 : i32
    %c0_i32_0 = arith.constant 0 : i32
    return %arg0, %c0_i32 : i32, i32
  }
  func.func @transform_1(%arg0: i32) -> (i32, i32) {
    %c0_i32 = arith.constant 0 : i32
    %c0_i32_0 = arith.constant 0 : i32
    %c0_i32_1 = arith.constant 0 : i32
    return %c0_i32, %c0_i32_0 : i32, i32
  }
  func.func @transform_2(%arg0: i32) -> (i32, i32) {
    %c0_i32 = arith.constant 0 : i32
    %c0_i32_0 = arith.constant 0 : i32
    %c0_i32_1 = arith.constant 0 : i32
    return %c0_i32, %c0_i32_0 : i32, i32
  }
  func.func @transform_3(%arg0: i32) -> (i32, i32) {
    %c0_i32 = arith.constant 0 : i32
    %c0_i32_0 = arith.constant 0 : i32
    return %arg0, %c0_i32 : i32, i32
  }
}

module attributes {stable_mosaic.version = 14 : i64} {
  func.func @_final_body(%arg0: i32, %arg1: memref<2x1024x128xf32, #tpu.memory_space<vmem>>, %arg2: memref<8x128xf32, #tpu.memory_space<vmem>>, %arg3: memref<1024x64xf32, #tpu.memory_space<vmem>>, %arg4: memref<128x64xf32, #tpu.memory_space<vmem>>, %arg5: memref<1024x64xf32, #tpu.memory_space<vmem>>) attributes {dimension_semantics = [#tpu.dimension_semantics<arbitrary>], iteration_bounds = array<i64: 10>, scalar_prefetch = 0 : i64, scratch_operands = 0 : i64, tpu.core_type = #tpu.core_type<tc>, window_params = [{transform_indices = @transform_0, window_bounds = array<i64: 2, 1024, 128>}, {transform_indices = @transform_1, window_bounds = array<i64: 8, 128>}, {transform_indices = @transform_2, window_bounds = array<i64: 1024, 64>}, {pipeline_mode = #tpu.pipeline_mode<synchronous>, transform_indices = @transform_3, window_bounds = array<i64: 128, 64>}, {transform_indices = @transform_4, window_bounds = array<i64: 1024, 64>}]} {
    %get3A = arith.constant 0 : index
    %get3A_0 = arith.constant 0 : index
    %get3A_1 = arith.constant 0 : index
    %get3A_2 = vector.load %arg1[%get3A, %get3A_0, %get3A_1] : memref<2x1024x128xf32, #tpu.memory_space<vmem>>, vector<1x1024x128xf32>
    %get3A_3 = vector.shape_cast %get3A_2 : vector<1x1024x128xf32> to vector<1024x128xf32>
    %get3A_4 = arith.constant 1 : index
    %get3A_5 = arith.constant 0 : index
    %get3A_6 = arith.constant 0 : index
    %get3A_7 = vector.load %arg1[%get3A_4, %get3A_5, %get3A_6] : memref<2x1024x128xf32, #tpu.memory_space<vmem>>, vector<1x1024x128xf32>
    %get3A_8 = vector.shape_cast %get3A_7 : vector<1x1024x128xf32> to vector<1024x128xf32>
    %add3A = arith.addf %get3A_3, %get3A_8 : vector<1024x128xf32>
    %get3A_9 = arith.constant 0 : index
    %get3A_10 = arith.constant 0 : index
    %get3A_11 = vector.load %arg2[%get3A_9, %get3A_10] : memref<8x128xf32, #tpu.memory_space<vmem>>, vector<8x128xf32>
    %iota3A = tpu.iota {dimensions = array<i32: 0>} : vector<1024x8xi32>
    %jit3A = arith.constant 128 : i32
    %div3A = vector.broadcast %jit3A : i32 to vector<1024x8xi32>
    %div3A_12 = arith.divsi %iota3A, %div3A : vector<1024x8xi32>
    %sign3A = arith.constant 0 : i32
    %sign3A_13 = vector.broadcast %sign3A : i32 to vector<1024x8xi32>
    %sign3A_14 = arith.cmpi sgt, %iota3A, %sign3A_13 : vector<1024x8xi32>
    %sign3A_15 = arith.extui %sign3A_14 : vector<1024x8xi1> to vector<1024x8xi32>
    %sign3A_16 = arith.constant 0 : i32
    %sign3A_17 = vector.broadcast %sign3A_16 : i32 to vector<1024x8xi32>
    %sign3A_18 = arith.cmpi slt, %iota3A, %sign3A_17 : vector<1024x8xi32>
    %sign3A_19 = arith.extui %sign3A_18 : vector<1024x8xi1> to vector<1024x8xi32>
    %sign3A_20 = arith.subi %sign3A_15, %sign3A_19 : vector<1024x8xi32>
    %sign3A_21 = arith.constant 0 : i32
    %sign3A_22 = arith.cmpi sgt, %jit3A, %sign3A_21 : i32
    %sign3A_23 = arith.extui %sign3A_22 : i1 to i32
    %sign3A_24 = arith.constant 0 : i32
    %sign3A_25 = arith.cmpi slt, %jit3A, %sign3A_24 : i32
    %sign3A_26 = arith.extui %sign3A_25 : i1 to i32
    %sign3A_27 = arith.subi %sign3A_23, %sign3A_26 : i32
    %ne3A = vector.broadcast %sign3A_27 : i32 to vector<1024x8xi32>
    %ne3A_28 = arith.cmpi ne, %sign3A_20, %ne3A : vector<1024x8xi32>
    %rem3A = vector.broadcast %jit3A : i32 to vector<1024x8xi32>
    %rem3A_29 = arith.remsi %iota3A, %rem3A : vector<1024x8xi32>
    %ne3A_30 = arith.constant 0 : i32
    %ne3A_31 = vector.broadcast %ne3A_30 : i32 to vector<1024x8xi32>
    %ne3A_32 = arith.cmpi ne, %rem3A_29, %ne3A_31 : vector<1024x8xi32>
    %and3A = arith.andi %ne3A_28, %ne3A_32 : vector<1024x8xi1>
    %sub3A = arith.constant 1 : i32
    %sub3A_33 = vector.broadcast %sub3A : i32 to vector<1024x8xi32>
    %sub3A_34 = arith.subi %div3A_12, %sub3A_33 : vector<1024x8xi32>
    %select_n3A = arith.select %and3A, %sub3A_34, %div3A_12 : vector<1024x8xi1>, vector<1024x8xi32>
    %iota3A_35 = tpu.iota {dimensions = array<i32: 1>} : vector<1024x8xi32>
    %eq3A = arith.cmpi eq, %select_n3A, %iota3A_35 : vector<1024x8xi32>
    %jit3A_36 = arith.constant 1.000000e+00 : f32
    %jit3A_37 = arith.constant 0.000000e+00 : f32
    %broadcast_in_dim3A = vector.broadcast %jit3A_36 : f32 to vector<1024x8xf32>
    %broadcast_in_dim3A_38 = vector.broadcast %jit3A_37 : f32 to vector<1024x8xf32>
    %select_n3A_39 = arith.select %eq3A, %broadcast_in_dim3A, %broadcast_in_dim3A_38 : vector<1024x8xi1>, vector<1024x8xf32>
    %dot_general3A = arith.constant dense<0.000000e+00> : vector<1024x128xf32>
    %dot_general3A_40 = tpu.matmul %select_n3A_39, %get3A_11, %dot_general3A {dimension_numbers = #tpu.dot_dimension_numbers<[1], [0], [0], [1], [0, 0, 1, 1], [], []>, transpose_lhs_hint = false} : vector<1024x8xf32>, vector<8x128xf32>, vector<1024x128xf32> -> vector<1024x128xf32>
    %iota3A_41 = tpu.iota {dimensions = array<i32: 0>} : vector<1024x128xi32>
    %jit3A_42 = arith.constant 128 : i32
    %eq3A_43 = arith.constant 0 : i32
    %eq3A_44 = arith.cmpi eq, %jit3A_42, %eq3A_43 : i32
    %jit3A_45 = arith.constant 1 : i32
    %select_n3A_46 = arith.select %eq3A_44, %jit3A_45, %jit3A_42 : i32
    %rem3A_47 = vector.broadcast %select_n3A_46 : i32 to vector<1024x128xi32>
    %rem3A_48 = arith.remsi %iota3A_41, %rem3A_47 : vector<1024x128xi32>
    %ne3A_49 = arith.constant 0 : i32
    %ne3A_50 = vector.broadcast %ne3A_49 : i32 to vector<1024x128xi32>
    %ne3A_51 = arith.cmpi ne, %rem3A_48, %ne3A_50 : vector<1024x128xi32>
    %lt3A = arith.constant 0 : i32
    %lt3A_52 = vector.broadcast %lt3A : i32 to vector<1024x128xi32>
    %lt3A_53 = arith.cmpi slt, %rem3A_48, %lt3A_52 : vector<1024x128xi32>
    %lt3A_54 = arith.constant 0 : i32
    %lt3A_55 = arith.cmpi slt, %select_n3A_46, %lt3A_54 : i32
    %ne3A_56 = vector.broadcast %lt3A_55 : i1 to vector<1024x128xi1>
    %ne3A_57 = vector.broadcast %ne3A_56 : vector<1024x128xi1> to vector<1024x128xi1>
    %ne3A_58 = arith.xori %lt3A_53, %ne3A_57 : vector<1024x128xi1>
    %and3A_59 = arith.andi %ne3A_58, %ne3A_51 : vector<1024x128xi1>
    %add3A_60 = vector.broadcast %select_n3A_46 : i32 to vector<1024x128xi32>
    %add3A_61 = arith.addi %rem3A_48, %add3A_60 : vector<1024x128xi32>
    %select_n3A_62 = arith.select %and3A_59, %add3A_61, %rem3A_48 : vector<1024x128xi1>, vector<1024x128xi32>
    %iota3A_63 = tpu.iota {dimensions = array<i32: 1>} : vector<1024x128xi32>
    %eq3A_64 = arith.cmpi eq, %select_n3A_62, %iota3A_63 : vector<1024x128xi32>
    %jit3A_65 = arith.constant 1.000000e+00 : f32
    %jit3A_66 = arith.constant 0.000000e+00 : f32
    %broadcast_in_dim3A_67 = vector.broadcast %jit3A_65 : f32 to vector<1024x128xf32>
    %broadcast_in_dim3A_68 = vector.broadcast %jit3A_66 : f32 to vector<1024x128xf32>
    %select_n3A_69 = arith.select %eq3A_64, %broadcast_in_dim3A_67, %broadcast_in_dim3A_68 : vector<1024x128xi1>, vector<1024x128xf32>
    %mul3A = arith.mulf %dot_general3A_40, %select_n3A_69 : vector<1024x128xf32>
    %reduce_sum3A = arith.constant dense<0.000000e+00> : vector<1024xf32>
    %reduce_sum3A_70 = vector.multi_reduction <add>, %mul3A, %reduce_sum3A [1] : vector<1024x128xf32> to vector<1024xf32>
    %broadcast_in_dim3A_71 = vector.shape_cast %reduce_sum3A_70 : vector<1024xf32> to vector<1024x1xf32>
    %max3A = arith.constant 1.000000e+00 : f32
    %max3A_72 = vector.broadcast %max3A : f32 to vector<1024x1xf32>
    %max3A_73 = arith.maximumf %broadcast_in_dim3A_71, %max3A_72 : vector<1024x1xf32>
    %div3A_74 = vector.broadcast %max3A_73 : vector<1024x1xf32> to vector<1024x128xf32>
    %div3A_75 = arith.divf %add3A, %div3A_74 : vector<1024x128xf32>
    %get3A_76 = arith.constant 0 : index
    %get3A_77 = arith.constant 0 : index
    %get3A_78 = vector.load %arg4[%get3A_76, %get3A_77] : memref<128x64xf32, #tpu.memory_space<vmem>>, vector<128x64xf32>
    %dot_general3A_79 = arith.constant dense<0.000000e+00> : vector<1024x64xf32>
    %dot_general3A_80 = tpu.matmul %div3A_75, %get3A_78, %dot_general3A_79 {dimension_numbers = #tpu.dot_dimension_numbers<[1], [0], [0], [1], [0, 0, 1, 1], [], []>, transpose_lhs_hint = false} : vector<1024x128xf32>, vector<128x64xf32>, vector<1024x64xf32> -> vector<1024x64xf32>
    %get3A_81 = arith.constant 0 : index
    %get3A_82 = arith.constant 0 : index
    %get3A_83 = vector.load %arg3[%get3A_81, %get3A_82] : memref<1024x64xf32, #tpu.memory_space<vmem>>, vector<1024x64xf32>
    %add3A_84 = arith.addf %dot_general3A_80, %get3A_83 : vector<1024x64xf32>
    %swap3A = arith.constant 0 : index
    %swap3A_85 = arith.constant 0 : index
    %swap3A_86 = vector.load %arg5[%swap3A, %swap3A_85] : memref<1024x64xf32, #tpu.memory_space<vmem>>, vector<1024x64xf32>
    tpu.vector_store %arg5[%swap3A, %swap3A_85], %add3A_84 {strides = array<i32>} : memref<1024x64xf32, #tpu.memory_space<vmem>>, vector<1024x64xf32>,
    return
  }
  func.func @transform_0(%arg0: i32) -> (i32, i32, i32) {
    %c0_i32 = arith.constant 0 : i32
    %c0_i32_0 = arith.constant 0 : i32
    %c0_i32_1 = arith.constant 0 : i32
    return %c0_i32, %arg0, %c0_i32_0 : i32, i32, i32
  }
  func.func @transform_1(%arg0: i32) -> (i32, i32) {
    %c0_i32 = arith.constant 0 : i32
    %c0_i32_0 = arith.constant 0 : i32
    return %arg0, %c0_i32 : i32, i32
  }
  func.func @transform_2(%arg0: i32) -> (i32, i32) {
    %c0_i32 = arith.constant 0 : i32
    %c0_i32_0 = arith.constant 0 : i32
    return %arg0, %c0_i32 : i32, i32
  }
  func.func @transform_3(%arg0: i32) -> (i32, i32) {
    %c0_i32 = arith.constant 0 : i32
    %c0_i32_0 = arith.constant 0 : i32
    %c0_i32_1 = arith.constant 0 : i32
    return %c0_i32, %c0_i32_0 : i32, i32
  }
  func.func @transform_4(%arg0: i32) -> (i32, i32) {
    %c0_i32 = arith.constant 0 : i32
    %c0_i32_0 = arith.constant 0 : i32
    return %arg0, %c0_i32 : i32, i32
  }
}

</mosaic_0001>

<sc_bundles>
// kernel: kernel.11.cloned.1.call-start
scs
__scs_entry_jumppad:
0x0: {  	(pc) =	sbr.rel $0x88, $3  }
0x1: {  	(tag) =	ssettag $0x0;
	lr =	simm.s32 $0x1  }
0x2: {  	[smem:$0x3F93] =	sst lr;
	_ =	strace $0xD0000000  }
0x3: {  	_ = 	snop  }
0x4: {  	_ = 	snop  }
0x5: {  	_ = 	snop  }
0x6: {  	_ = 	snop  }
0x7: {  	_ = 	snop  }
__scs_overlays_trampoline_lowered:
0x8: {  	[smem:$0x3FA2] =	sst s0  }
0x9: {  	[smem:$0x3FA3] =	sst s1  }
0xa: {  	[smem:$0x3FA4] =	sst s2  }
0xb: {  	[smem:$0x3FA5] =	sst s3  }
0xc: {  	[smem:$0x3FA6] =	sst s4  }
0xd: {  	[smem:$0x3FA7] =	sst s5  }
0xe: {  	[smem:$0x3FA8] =	sst s6  }
0xf: {  	[smem:$0x3FA9] =	sst s7  }
0x10: {  	[smem:$0x3FAA] =	sst s8  }
0x11: {  	[smem:$0x3FAB] =	sst s9;
	s0 =	simm.s32 @!p0 $0x0  }
0x12: {  	s1 =	sld [smem:$0x3F91];
	s0 =	simm.s32 @p0 $0x1  }
0x13: {  	[smem:$0x3FAC] =	sst s0;
	s0 =	simm.s32 @!p1 $0x0  }
0x14: {  	s2 =	sld [smem:$0x3F90];
	s0 =	simm.s32 @p1 $0x1  }
0x15: {  	[smem:$0x3FAD] =	sst s0;
	s0 =	simm.s32 @!p2 $0x0  }
0x16: {  	s3 =	sld [smem:$0x3FDB];
	s0 =	simm.s32 @p2 $0x1  }
0x17: {  	s4 =	simm.s32 $0x1BF5;
	[smem:$0x3FAF] =	sst s0  }
0x18: {  	s0 =	sld [smem:$0x3F92];
	_ =	swait.ge [sflag:s4], $0x0  }
0x19: {  	s7 =	sld [smem:$0x3F93]  }
0x1a: {  	s8 =	sadd.s32 $0xFFFFE003, lr  }
0x1b: {  	s9 =	sadd.s32 $0xFFFFFEF7, lr;
	s5 =	simm.s32 $0xFFFFFFFF;
	p2 =	slt.u32 s8, $0xFFFFF086  }
0x1c: {  	p1 =	slt.u32 s9, $0xF7A;
	s5 =	simm.s32 @!p2 $0x0  }
0x1d: {  	s5 =	simm.s32 @p1 $0x1;
	p0 =	seq.s32 s7, s2  }
0x1e: {  	s7 =	smul.u32 @!p0 $0xF7A, s2;
	p2 =	seq.s32 @!p0 s5, $0x0  }
0x1f: {  	s9 =	smul.u32 $0xF7A, s1;
	s8 =	simm.s32 @!p0 $0x1BF5;
	p2 =	por !p2, p0  }
0x20: {  	[sflag:s8] =	ssyncset.s32 @!p0 $0xFFFFF086;
	s6 =	sadd.s32 @!p0 s3, s7;
	s7 =	simm.s32 @!p0 $0x108  }
0x21: {  	s3 =	sadd.s32 s3, s9;
	s6 =	sadd.s32 @!p0 $0x88, s6;
	s7 =	simm.s32 @p2 $0x1082  }
0x22: {  	[simem:s7], [sflag:s8] =	dma.local @!p0 [hbm:s6], $0xF7A  }
0x23: {  	s9 =	sor.u32 $0xD0000000, s2;
	s6 =	simm.s32 $0x108;
	_ =	swait.ge @!p0 [sflag:s8], $0x0  }
0x24: {  	s3 =	sadd.s32 $0x88, s3;
	s6 =	simm.s32 @!p1 $0x1082;
	[sflag:s4] =	ssyncset.s32 $0xFFFFF086  }
0x25: {  	[simem:s6], [sflag:s4] =	dma.local [hbm:s3], $0xF7A  }
0x26: {  	[smem:$0x3F93] =	sst s1;
	(tag) =	ssettag s2;
	_ =	strace s9  }
0x27: {  	s1 =	sld [smem:$0x3FA3]  }
0x28: {  	s2 =	sld [smem:$0x3FA4]  }
0x29: {  	s4 =	sld [smem:$0x3FA6]  }
0x2a: {  	p0 =	seq.s32 s5, $0x0;
	s5 =	sld [smem:$0x3FA7]  }
0x2b: {  	s6 =	sld [smem:$0x3FA8]  }
0x2c: {  	s7 =	sld [smem:$0x3FA9]  }
0x2d: {  	s3 =	simm.s32 $0x108;
	s8 =	sld [smem:$0x3FAA]  }
0x2e: {  	s3 =	simm.s32 @!p0 $0x1082;
	s9 =	sld [smem:$0x3FAB]  }
0x2f: {  	lr =	sadd.s32 s0, s3;
	s0 =	sld [smem:$0x3FA2]  }
0x30: {  	s3 =	sld [smem:$0x3FA5]  }
0x31: {  	[smem:$0x3FAE] =	sst s10  }
0x32: {  	s10 =	sld [smem:$0x3FAC];
	_ =	sdelay $0x3  }
0x33: {  	p0 =	seq.s32 s10, $0x1;
	s10 =	sld [smem:$0x3FAE];
	_ =	sdelay $0x3  }
0x34: {  	[smem:$0x3FAE] =	sst s10  }
0x35: {  	s10 =	sld [smem:$0x3FAD];
	_ =	sdelay $0x3  }
0x36: {  	p1 =	seq.s32 s10, $0x1;
	s10 =	sld [smem:$0x3FAE];
	_ =	sdelay $0x3  }
0x37: {  	[smem:$0x3FAE] =	sst s10  }
0x38: {  	s10 =	sld [smem:$0x3FAF]  }
0x39: {  	_ = 	snop;
	(pc) =	sbr.ind lr, $3  }
0x3a: {  	_ = 	snop  }
0x3b: {  	_ = 	snop  }
0x3c: {  	p2 =	seq.s32 s10, $0x1;
	s10 =	sld [smem:$0x3FAE]  }
0x3d: {  	_ =	shalt  }
0x3e: {  	_ =	shalt  }
0x3f: {  	_ =	shalt  }
0x40: {  	_ =	shalt  }
0x41: {  	_ =	shalt  }
0x42: {  	_ =	shalt  }
0x43: {  	_ =	shalt  }
0x44: {  	_ =	shalt  }
0x45: {  	_ =	shalt  }
0x46: {  	_ =	shalt  }
0x47: {  	_ =	shalt  }
0x48: {  	_ =	shalt  }
0x49: {  	_ =	shalt  }
0x4a: {  	_ =	shalt  }
0x4b: {  	_ =	shalt  }
0x4c: {  	_ =	shalt  }
0x4d: {  	_ =	shalt  }
0x4e: {  	_ =	shalt  }
0x4f: {  	_ =	shalt  }
0x50: {  	_ =	shalt  }
0x51: {  	_ =	shalt  }
0x52: {  	_ =	shalt  }
0x53: {  	_ =	shalt  }
0x54: {  	_ =	shalt  }
0x55: {  	_ =	shalt  }
0x56: {  	_ =	shalt  }
0x57: {  	_ =	shalt  }
0x58: {  	_ =	shalt  }
0x59: {  	_ =	shalt  }
0x5a: {  	_ =	shalt  }
0x5b: {  	_ =	shalt  }
0x5c: {  	_ =	shalt  }
0x5d: {  	_ =	shalt  }
0x5e: {  	_ =	shalt  }
0x5f: {  	_ =	shalt  }
0x60: {  	_ =	shalt  }
0x61: {  	_ =	shalt  }
0x62: {  	_ =	shalt  }
0x63: {  	_ =	shalt  }
0x64: {  	_ =	shalt  }
0x65: {  	_ =	shalt  }
0x66: {  	_ =	shalt  }
0x67: {  	_ =	shalt  }
0x68: {  	_ =	shalt  }
0x69: {  	_ =	shalt  }
0x6a: {  	_ =	shalt  }
0x6b: {  	_ =	shalt  }
0x6c: {  	_ =	shalt  }
0x6d: {  	_ =	shalt  }
0x6e: {  	_ =	shalt  }
0x6f: {  	_ =	shalt  }
0x70: {  	_ =	shalt  }
0x71: {  	_ =	shalt  }
0x72: {  	_ =	shalt  }
0x73: {  	_ =	shalt  }
0x74: {  	_ =	shalt  }
0x75: {  	_ =	shalt  }
0x76: {  	_ =	shalt  }
0x77: {  	_ =	shalt  }
0x78: {  	_ =	shalt  }
0x79: {  	_ =	shalt  }
0x7a: {  	_ =	shalt  }
0x7b: {  	_ =	shalt  }
0x7c: {  	_ =	shalt  }
0x7d: {  	_ =	shalt  }
0x7e: {  	_ =	shalt  }
0x7f: {  	_ =	shalt  }
0x80: {  	_ =	shalt  }
0x81: {  	_ =	shalt  }
0x82: {  	_ =	shalt  }
0x83: {  	_ =	shalt  }
0x84: {  	_ =	shalt  }
0x85: {  	_ =	shalt  }
0x86: {  	_ =	shalt  }
0x87: {  	_ =	shalt  }
.Lfunc_end0:
.L_simem_size_0:
called_computation_lowered:
.L_overlay_start_0:
0x88: {  	s2 =	sld [smem:$0x3FD9]  }
0x89: {  	s3 =	sld [smem:$0x3FFE];
	_ =	sdelay $0x1  }
0x8a: {  	s1 =	srdreg.scid  }
0x8b: {  	s0 =	sand.u32 $0x1, s1  }
0x8c: {  	s16 =	sshll.u32 s0, $0xA;
	s2 =	sadd.s32 s3, s2  }
0x8d: {  	s2 =	sadd.s32 s2, s16  }
0x8e: {  	[smem:$0x3FBA] =	sst s2  }
0x8f: {  	_ = 	snop  }
0x90: {  	(tm) =	ssettm $0x1  }
0x91: {  	s17 =	sld [smem:$0x3FFB];
	_ =	sdelay $0x3  }
0x92: {  	_ =	strace s17  }
0x93: {  	s2 =	sld [smem:$0x3FFC];
	_ =	sdelay $0x3  }
0x94: {  	_ =	strace s2  }
0x95: {  	s2 =	sld [smem:$0x3FFD];
	_ =	sdelay $0x3  }
0x96: {  	_ =	strace s2  }
0x97: {  	_ =	strace $0x8FFFFFFF  }
0x98: {  	s18 =	sld [smem:$0x3FDB];
	_ =	sdelay $0x1  }
0x99: {  	s19 =	simm.s32 $_scs_section_size  }
0x9a: {  	s4 =	simm.s32 $_size__tile_overlayer_lowered;
	s5 =	simm.s32 $_tile_overlayer_lowered  }
0x9b: {  	s22 =	simm.s32 $0x1BFF;
	s21 =	sshll.u32 s5, $0x1;
	s2 =	sadd.s32 s19, s18  }
0x9c: {  	s6 =	simm.s32 $0x0;
	s20 =	sshll.u32 s4, $0x1;
	s4 =	sadd.s32 s21, s2  }
0x9d: {  	[timem:s6], [sflag:s22] =	dma.local [hbm:s4], s20  }
0x9e: {  	_ =	swait.ge [sflag:s22], s20  }
0x9f: {  	s3 =	ssub.s32 $0x0, s20;
	[sflag:s22] =	ssyncset.done $0x0  }
0xa0: {  	[sflag:s22] =	ssyncadd.s32 s3;
	_ =	sdelay $0x1  }
0xa1: {  	s23 =	simm.s32 $0x1B8B  }
0xa2: {  	_ =	swait.ge [sflag:s23], $0x1  }
0xa3: {  	[sflag:s23] =	ssyncset.done $0x0  }
0xa4: {  	s25 =	simm.s32 $0x1B8E;
	s24 =	sld [smem:$0x3FFE];
	[sflag:s23] =	ssyncadd.s32 $0xFFFFFFFF  }
0xa5: {  	s26 =	simm.s32 $execute0_lowered;
	[smem:$0x3FD2] =	sst s25  }
0xa6: {  	s4 =	sshll.u32 s26, $0x1;
	_ =	strace $0x80000046;
	[dreg:$0x1] =	wrdreg $0xFFFFFFFF  }
0xa7: {  	s28 =	simm.s32 $_size_execute0_lowered;
	s2 =	sadd.s32 s2, s4;
	[dreg:$0x0] =	wrdreg $0x0  }
0xa8: {  	s4 =	sshll.u32 s28, $0x1;
	[dreg:$0x2] =	wrdreg s2  }
0xa9: {  	[dreg:$0x3] =	wrdreg s4  }
0xaa: {  	[dreg:$0x4] =	wrdreg $0xC0  }
0xab: {  	_ =	task [dreg:s6], $0x5FFFF  }
0xac: {  	[dreg:$0x1] =	wrdreg $0xFFFFFFFF  }
0xad: {  	[dreg:$0x0] =	wrdreg $0x60  }
0xae: {  	[dreg:$0x2] =	wrdreg s24  }
0xaf: {  	[dreg:$0x3] =	wrdreg $0x48000  }
0xb0: {  	[dreg:$0x4] =	wrdreg $0x9  }
0xb1: {  	_ =	task.clear_ibuf [dreg:s6], $0x5FFFF;
	_ =	strace $0x90000046  }
0xb2: {  	s29 =	simm.s32 $0x9;
	_ =	strace $0x80000048  }
0xb3: {  	_ =	swait.ge [sflag:s29], $0x1  }
0xb4: {  	[sflag:s29] =	ssyncadd.s32 $0xFFFFFFFF  }
0xb5: {  	_ =	strace $0x90000048  }
0xb6: {  	_ =	sfence  }
0xb7: {  	s30 =	sld [smem:$0x0];
	_ =	sdelay $0x2  }
0xb8: {  	s31 =	sshll.u32 s1, $0xD;
	s1 =	sshrl.u32 s1, $0x2  }
0xb9: {  	s3 =	sand.u32 $0x4000, s31;
	s1 =	sadd.s32 s1, s30  }
0xba: {  	s0 =	sor.u32 s3, s0;
	s1 =	sshll.u32 s1, $0x11  }
0xbb: {  	s0 =	sor.u32 s1, s0  }
0xbc: {  	s0 =	sadd.s32 $0x8F2B, s0  }
0xbd: {  	[sflag:s0] =	ssyncadd.remote.s32 $0x1  }
0xbe: {  	_ =	sfence.sel $0xFFFF  }
0xbf: {  	[dreg:$0x0] =	wrdreg $0xFFFFFFFF;
	(pc) =	sbr.abs _section_cstart, $3  }
0xc0: {  	[dreg:$0x1] =	wrdreg $0xFFFFFFFF  }
0xc1: {  	_ =	task.clear_ibuf [dreg:s6], $0x2FFFF;
	_ =	strace $0x9FFFFFFF  }
0xc2: {  	(tm) =	ssettm $0x7FFFFFFF  }
0xc3: {  	_ =	shalt  }
tec
execute0_lowered:
.L_overlay_start_1:
0x0: {  	(tag) =	ssettag $0x1  }
0x1: {  	s0 =	rddreg [dreg:$0x0]  }
0x2: {  	s2 =	srdreg.scid;
	s1 =	rddreg [dreg:$0x1];
	s3 =	simm.s32 $0x0  }
0x3: {  	s9 =	stileid.u32;
	s15 =	simm.s32 $0x1;
	s16 =	simm.s32 $0x4000  }
0x4: {  	s17 =	simm.s32 $0x4400;
	s18 =	simm.s32 $0x80;
	s19 =	simm.s32 $0x4080  }
0x5: {  	s28 =	simm.s32 $0x4280;
	s29 =	simm.s32 $0x4680;
	s7 =	smul.u32 $0x14000, s9  }
0x6: {  	s30 =	simm.s32 $0x4300;
	s31 =	simm.s32 $0x4700;
	s8 =	smul.u32 $0x50000, s9  }
0x7: {  	s2 =	sand.u32 $0x1, s2;
	[smem:$0x7FF] =	sst s3;
	s22 =	smul.u32 $0x500, s9  }
0x8: {  	s4 =	sadd.s32 $0x20E00, s0;
	s10 =	sadd.s32 $0x48000, s0;
	s5 =	smul.u32 $0x5000, s2  }
0x9: {  	s6 =	smul.u32 $0x140000, s2;
	_ =	strace $0x80000047;
	s2 =	ssub.s32 $0x2, s2  }
0xa: {  	[dreg:$0x3] =	wrdreg s10;
	s20 =	sshrl.u32 s8, $0x2;
	s21 =	sshrl.u32 s2, $0x1  }
0xb: {  	s5 =	sadd.s32 s5, s0;
	s6 =	sadd.s32 s7, s6;
	s2 =	ssub.s32 s2, s21  }
0xc: {  	s21 =	simm.s32 $0x4100;
	s6 =	sshrl.u32 s6, $0x3;
	s12 =	smax.u32 s2, $0x1  }
0xd: {  	s26 =	sadd.s32 s22, s5;
	s0 =	sadd.s32 s6, s0;
	s6 =	sadd.s32 s20, s1  }
0xe: {  	s22 =	simm.s32 $0x4500;
	s2 =	simm.s32 $0x4780;
	s7 =	sadd.s32 $0x4000, s6  }
0xf: {  	s5 =	simm.s32 $0x0;
	s23 =	sadd.s32 $0x8000, s6;
	[dreg:$0x4] =	wrdreg s7  }
0x10: {  	s13 =	sadd.s32 $0x2E00, s26;
	s24 =	sadd.s32 $0xC000, s6;
	[dreg:$0x5] =	wrdreg s23  }
0x11: {  	s14 =	sadd.s32 $0x16E00, s26;
	s25 =	sadd.s32 $0x10000, s6;
	[dreg:$0x6] =	wrdreg s24  }
0x12: {  	s20 =	simm.s32 $0x4480;
	s0 =	sadd.s32 $0x48800, s0;
	[dreg:$0x7] =	wrdreg s25  }
0x13: {  	s26 =	simm.s32 $0x4600;
	[dreg:$0x8] =	wrdreg s0;
	s23 =	simm.s32 $0x4180  }
0x14: {  	s24 =	simm.s32 $0x4580;
	s25 =	simm.s32 $0x4200;
	s0 =	simm.s32 $0x4380  }
.LBB2_1:
0x15: {  	s7 =	rddreg [dreg:$0x3]  }
0x16: {  	[tilespmem:s3], [sflag:$0x1] =	stream.linear.gather [hbm4b:s7+s3], $0x4000, $0x38;
	[tilespmem:$0x18800] =	vst v63  }
0x17: {  	_ =	swait.ge [sflag:s15], $0x4000  }
0x18: {  	[sflag:s15] =	ssyncset.done $0x0  }
0x19: {  	[sflag:s15] =	ssyncadd.s32 $0xFFFFC000  }
0x1a: {  	[spmem:s6] =	stream.linear.scatter [tilespmem:s3], [sflag:$0x1], $0x4000, $0x38;
	[tilespmem:$0x18800] =	vst v63  }
0x1b: {  	_ =	swait.ge [sflag:s15], $0x4000  }
0x1c: {  	[sflag:s15] =	ssyncset.done $0x0  }
0x1d: {  	s10 =	rddreg [dreg:$0x4];
	[sflag:s15] =	ssyncadd.s32 $0xFFFFC000  }
0x1e: {  	[spmem:s10] =	stream.linear.scatter [tilespmem:s3], [sflag:$0x1], $0x4000, $0x38;
	[tilespmem:$0x18800] =	vst v63  }
0x1f: {  	_ =	swait.ge [sflag:s15], $0x4000  }
0x20: {  	[sflag:s15] =	ssyncset.done $0x0  }
0x21: {  	s11 =	rddreg [dreg:$0x5];
	[sflag:s15] =	ssyncadd.s32 $0xFFFFC000  }
0x22: {  	[spmem:s11] =	stream.linear.scatter [tilespmem:s3], [sflag:$0x1], $0x4000, $0x38;
	[tilespmem:$0x18800] =	vst v63  }
0x23: {  	_ =	swait.ge [sflag:s15], $0x4000  }
0x24: {  	[sflag:s15] =	ssyncset.done $0x0  }
0x25: {  	s8 =	rddreg [dreg:$0x6];
	[sflag:s15] =	ssyncadd.s32 $0xFFFFC000  }
0x26: {  	[spmem:s8] =	stream.linear.scatter [tilespmem:s3], [sflag:$0x1], $0x4000, $0x38;
	[tilespmem:$0x18800] =	vst v63  }
0x27: {  	_ =	swait.ge [sflag:s15], $0x4000  }
0x28: {  	[sflag:s15] =	ssyncset.done $0x0  }
0x29: {  	s9 =	rddreg [dreg:$0x7];
	[sflag:s15] =	ssyncadd.s32 $0xFFFFC000  }
0x2a: {  	[spmem:s9] =	stream.linear.scatter [tilespmem:s3], [sflag:$0x1], $0x4000, $0x38;
	[tilespmem:$0x18800] =	vst v63  }
0x2b: {  	_ =	swait.ge [sflag:s15], $0x4000  }
0x2c: {  	[sflag:s15] =	ssyncset.done $0x0  }
0x2d: {  	[sflag:s15] =	ssyncadd.s32 $0xFFFFC000  }
0x2e: {  	s10 =	sadd.s32 $0x0, s14;
	[bflag:$0x0] =	sbarrier.arrive $0xFFFF  }
0x2f: {  	[tilespmem:s16], [sflag:$0x1] =	stream.linear.gather [hbm4b:s10+s3], $0x400, $0x38;
	[tilespmem:$0x18800] =	vst v63  }
0x30: {  	_ =	swait.ge [sflag:s15], $0x400  }
0x31: {  	[sflag:s15] =	ssyncset.done $0x0  }
0x32: {  	s11 =	sadd.s32 $0x0, s13;
	[sflag:s15] =	ssyncadd.s32 $0xFFFFFC00  }
0x33: {  	[tilespmem:s17], [sflag:$0x1] =	stream.linear.gather [hbm4b:s11+s3], $0x400, $0x38;
	[tilespmem:$0x18800] =	vst v63  }
0x34: {  	_ =	swait.ge [sflag:s15], $0x400  }
0x35: {  	[sflag:s15] =	ssyncset.done $0x0  }
0x36: {  	[sflag:s15] =	ssyncadd.s32 $0xFFFFFC00  }
0x37: {  	[tilespmem:s3], [sflag:$0x1] =	stream.indirect.gather [hbm4b:s4+s18], $0x80, s16, s18, $0xb8;
	[tilespmem:$0x18800] =	vst v63  }
0x38: {  	_ =	swait.ge [sflag:s15], $0x4000  }
0x39: {  	[sflag:s15] =	ssyncset.done $0x0  }
0x3a: {  	[sflag:s15] =	ssyncadd.s32 $0xFFFFC000  }
0x3b: {  	[spmem:s1] =	stream.indirect.scatter.add.f32 [tilespmem:s3], [sflag:$0x1], $0x80, s17, s18, $0xb8;
	[tilespmem:$0x18800] =	vst v63  }
0x3c: {  	_ =	swait.ge [sflag:s15], $0x4000  }
0x3d: {  	[sflag:s15] =	ssyncset.done $0x0  }
0x3e: {  	[sflag:s15] =	ssyncadd.s32 $0xFFFFC000  }
0x3f: {  	[tilespmem:s3], [sflag:$0x1] =	stream.indirect.gather [hbm4b:s4+s18], $0x80, s19, s18, $0xb8;
	[tilespmem:$0x18800] =	vst v63  }
0x40: {  	_ =	swait.ge [sflag:s15], $0x4000  }
0x41: {  	[sflag:s15] =	ssyncset.done $0x0  }
0x42: {  	[sflag:s15] =	ssyncadd.s32 $0xFFFFC000  }
0x43: {  	[spmem:s1] =	stream.indirect.scatter.add.f32 [tilespmem:s3], [sflag:$0x1], $0x80, s20, s18, $0xb8;
	[tilespmem:$0x18800] =	vst v63  }
0x44: {  	_ =	swait.ge [sflag:s15], $0x4000  }
0x45: {  	[sflag:s15] =	ssyncset.done $0x0  }
0x46: {  	[sflag:s15] =	ssyncadd.s32 $0xFFFFC000  }
0x47: {  	[tilespmem:s3], [sflag:$0x1] =	stream.indirect.gather [hbm4b:s4+s18], $0x80, s21, s18, $0xb8;
	[tilespmem:$0x18800] =	vst v63  }
0x48: {  	_ =	swait.ge [sflag:s15], $0x4000  }
0x49: {  	[sflag:s15] =	ssyncset.done $0x0  }
0x4a: {  	[sflag:s15] =	ssyncadd.s32 $0xFFFFC000  }
0x4b: {  	[spmem:s1] =	stream.indirect.scatter.add.f32 [tilespmem:s3], [sflag:$0x1], $0x80, s22, s18, $0xb8;
	[tilespmem:$0x18800] =	vst v63  }
0x4c: {  	_ =	swait.ge [sflag:s15], $0x4000  }
0x4d: {  	[sflag:s15] =	ssyncset.done $0x0  }
0x4e: {  	[sflag:s15] =	ssyncadd.s32 $0xFFFFC000  }
0x4f: {  	[tilespmem:s3], [sflag:$0x1] =	stream.indirect.gather [hbm4b:s4+s18], $0x80, s23, s18, $0xb8;
	[tilespmem:$0x18800] =	vst v63  }
0x50: {  	_ =	swait.ge [sflag:s15], $0x4000  }
0x51: {  	[sflag:s15] =	ssyncset.done $0x0  }
0x52: {  	[sflag:s15] =	ssyncadd.s32 $0xFFFFC000  }
0x53: {  	[spmem:s1] =	stream.indirect.scatter.add.f32 [tilespmem:s3], [sflag:$0x1], $0x80, s24, s18, $0xb8;
	[tilespmem:$0x18800] =	vst v63  }
0x54: {  	_ =	swait.ge [sflag:s15], $0x4000  }
0x55: {  	[sflag:s15] =	ssyncset.done $0x0  }
0x56: {  	[sflag:s15] =	ssyncadd.s32 $0xFFFFC000  }
0x57: {  	[tilespmem:s3], [sflag:$0x1] =	stream.indirect.gather [hbm4b:s4+s18], $0x80, s25, s18, $0xb8;
	[tilespmem:$0x18800] =	vst v63  }
0x58: {  	_ =	swait.ge [sflag:s15], $0x4000  }
0x59: {  	[sflag:s15] =	ssyncset.done $0x0  }
0x5a: {  	[sflag:s15] =	ssyncadd.s32 $0xFFFFC000  }
0x5b: {  	[spmem:s1] =	stream.indirect.scatter.add.f32 [tilespmem:s3], [sflag:$0x1], $0x80, s26, s18, $0xb8;
	[tilespmem:$0x18800] =	vst v63  }
0x5c: {  	_ =	swait.ge [sflag:s15], $0x4000  }
0x5d: {  	[sflag:s15] =	ssyncset.done $0x0  }
0x5e: {  	[sflag:s15] =	ssyncadd.s32 $0xFFFFC000  }
0x5f: {  	[tilespmem:s3], [sflag:$0x1] =	stream.indirect.gather [hbm4b:s4+s18], $0x80, s28, s18, $0xb8;
	[tilespmem:$0x18800] =	vst v63  }
0x60: {  	_ =	swait.ge [sflag:s15], $0x4000  }
0x61: {  	[sflag:s15] =	ssyncset.done $0x0  }
0x62: {  	[sflag:s15] =	ssyncadd.s32 $0xFFFFC000  }
0x63: {  	[spmem:s1] =	stream.indirect.scatter.add.f32 [tilespmem:s3], [sflag:$0x1], $0x80, s29, s18, $0xb8;
	[tilespmem:$0x18800] =	vst v63  }
0x64: {  	_ =	swait.ge [sflag:s15], $0x4000  }
0x65: {  	[sflag:s15] =	ssyncset.done $0x0  }
0x66: {  	[sflag:s15] =	ssyncadd.s32 $0xFFFFC000  }
0x67: {  	[tilespmem:s3], [sflag:$0x1] =	stream.indirect.gather [hbm4b:s4+s18], $0x80, s30, s18, $0xb8;
	[tilespmem:$0x18800] =	vst v63  }
0x68: {  	_ =	swait.ge [sflag:s15], $0x4000  }
0x69: {  	[sflag:s15] =	ssyncset.done $0x0  }
0x6a: {  	[sflag:s15] =	ssyncadd.s32 $0xFFFFC000  }
0x6b: {  	[spmem:s1] =	stream.indirect.scatter.add.f32 [tilespmem:s3], [sflag:$0x1], $0x80, s31, s18, $0xb8;
	[tilespmem:$0x18800] =	vst v63  }
0x6c: {  	_ =	swait.ge [sflag:s15], $0x4000  }
0x6d: {  	[sflag:s15] =	ssyncset.done $0x0  }
0x6e: {  	[sflag:s15] =	ssyncadd.s32 $0xFFFFC000  }
0x6f: {  	[tilespmem:s3], [sflag:$0x1] =	stream.indirect.gather [hbm4b:s4+s18], $0x80, s0, s18, $0xb8;
	[tilespmem:$0x18800] =	vst v63  }
0x70: {  	_ =	swait.ge [sflag:s15], $0x4000  }
0x71: {  	[sflag:s15] =	ssyncset.done $0x0  }
0x72: {  	[sflag:s15] =	ssyncadd.s32 $0xFFFFC000  }
0x73: {  	[spmem:s1] =	stream.indirect.scatter.add.f32 [tilespmem:s3], [sflag:$0x1], $0x80, s2, s18, $0xb8;
	[tilespmem:$0x18800] =	vst v63  }
0x74: {  	_ =	swait.ge [sflag:s15], $0x4000  }
0x75: {  	s7 =	simm.s32 $0x80;
	s8 =	simm.s32 $0x100;
	[sflag:s15] =	ssyncset.done $0x0  }
.LBB2_2:
0x76: {  	s10 =	sadd.s32 s7, s14  }
0x77: {  	[sflag:s15] =	ssyncadd.s32 $0xFFFFC000;
	s11 =	smov.u32 s8;
	s9 =	sadd.s32 $0x80, s8  }
0x78: {  	[tilespmem:s16], [sflag:$0x1] =	stream.linear.gather [hbm4b:s10+s3], $0x400, $0x38;
	[tilespmem:$0x18800] =	vst v63  }
0x79: {  	p0 =	sne.s32 s8, $0x480;
	_ =	swait.ge [sflag:s15], $0x400  }
0x7a: {  	[sflag:s15] =	ssyncset.done $0x0  }
0x7b: {  	s8 =	sadd.s32 s7, s13;
	s7 =	smov.u32 s11;
	[sflag:s15] =	ssyncadd.s32 $0xFFFFFC00  }
0x7c: {  	[tilespmem:s17], [sflag:$0x1] =	stream.linear.gather [hbm4b:s8+s3], $0x400, $0x38;
	[tilespmem:$0x18800] =	vst v63  }
0x7d: {  	_ =	swait.ge [sflag:s15], $0x400  }
0x7e: {  	[sflag:s15] =	ssyncset.done $0x0  }
0x7f: {  	[sflag:s15] =	ssyncadd.s32 $0xFFFFFC00  }
0x80: {  	[tilespmem:s3], [sflag:$0x1] =	stream.indirect.gather [hbm4b:s4+s18], $0x80, s16, s18, $0xb8;
	[tilespmem:$0x18800] =	vst v63  }
0x81: {  	_ =	swait.ge [sflag:s15], $0x4000  }
0x82: {  	[sflag:s15] =	ssyncset.done $0x0  }
0x83: {  	[sflag:s15] =	ssyncadd.s32 $0xFFFFC000  }
0x84: {  	[spmem:s1] =	stream.indirect.scatter.add.f32 [tilespmem:s3], [sflag:$0x1], $0x80, s17, s18, $0xb8;
	[tilespmem:$0x18800] =	vst v63  }
0x85: {  	_ =	swait.ge [sflag:s15], $0x4000  }
0x86: {  	[sflag:s15] =	ssyncset.done $0x0  }
0x87: {  	[sflag:s15] =	ssyncadd.s32 $0xFFFFC000  }
0x88: {  	[tilespmem:s3], [sflag:$0x1] =	stream.indirect.gather [hbm4b:s4+s18], $0x80, s19, s18, $0xb8;
	[tilespmem:$0x18800] =	vst v63  }
0x89: {  	_ =	swait.ge [sflag:s15], $0x4000  }
0x8a: {  	[sflag:s15] =	ssyncset.done $0x0  }
0x8b: {  	[sflag:s15] =	ssyncadd.s32 $0xFFFFC000  }
0x8c: {  	[spmem:s1] =	stream.indirect.scatter.add.f32 [tilespmem:s3], [sflag:$0x1], $0x80, s20, s18, $0xb8;
	[tilespmem:$0x18800] =	vst v63  }
0x8d: {  	_ =	swait.ge [sflag:s15], $0x4000  }
0x8e: {  	[sflag:s15] =	ssyncset.done $0x0  }
0x8f: {  	[sflag:s15] =	ssyncadd.s32 $0xFFFFC000  }
0x90: {  	[tilespmem:s3], [sflag:$0x1] =	stream.indirect.gather [hbm4b:s4+s18], $0x80, s21, s18, $0xb8;
	[tilespmem:$0x18800] =	vst v63  }
0x91: {  	_ =	swait.ge [sflag:s15], $0x4000  }
0x92: {  	[sflag:s15] =	ssyncset.done $0x0  }
0x93: {  	[sflag:s15] =	ssyncadd.s32 $0xFFFFC000  }
0x94: {  	[spmem:s1] =	stream.indirect.scatter.add.f32 [tilespmem:s3], [sflag:$0x1], $0x80, s22, s18, $0xb8;
	[tilespmem:$0x18800] =	vst v63  }
0x95: {  	_ =	swait.ge [sflag:s15], $0x4000  }
0x96: {  	[sflag:s15] =	ssyncset.done $0x0  }
0x97: {  	[sflag:s15] =	ssyncadd.s32 $0xFFFFC000  }
0x98: {  	[tilespmem:s3], [sflag:$0x1] =	stream.indirect.gather [hbm4b:s4+s18], $0x80, s23, s18, $0xb8;
	[tilespmem:$0x18800] =	vst v63  }
0x99: {  	_ =	swait.ge [sflag:s15], $0x4000  }
0x9a: {  	[sflag:s15] =	ssyncset.done $0x0  }
0x9b: {  	[sflag:s15] =	ssyncadd.s32 $0xFFFFC000  }
0x9c: {  	[spmem:s1] =	stream.indirect.scatter.add.f32 [tilespmem:s3], [sflag:$0x1], $0x80, s24, s18, $0xb8;
	[tilespmem:$0x18800] =	vst v63  }
0x9d: {  	_ =	swait.ge [sflag:s15], $0x4000  }
0x9e: {  	[sflag:s15] =	ssyncset.done $0x0  }
0x9f: {  	[sflag:s15] =	ssyncadd.s32 $0xFFFFC000  }
0xa0: {  	[tilespmem:s3], [sflag:$0x1] =	stream.indirect.gather [hbm4b:s4+s18], $0x80, s25, s18, $0xb8;
	[tilespmem:$0x18800] =	vst v63  }
0xa1: {  	_ =	swait.ge [sflag:s15], $0x4000  }
0xa2: {  	[sflag:s15] =	ssyncset.done $0x0  }
0xa3: {  	[sflag:s15] =	ssyncadd.s32 $0xFFFFC000  }
0xa4: {  	[spmem:s1] =	stream.indirect.scatter.add.f32 [tilespmem:s3], [sflag:$0x1], $0x80, s26, s18, $0xb8;
	[tilespmem:$0x18800] =	vst v63  }
0xa5: {  	_ =	swait.ge [sflag:s15], $0x4000  }
0xa6: {  	[sflag:s15] =	ssyncset.done $0x0  }
0xa7: {  	[sflag:s15] =	ssyncadd.s32 $0xFFFFC000  }
0xa8: {  	[tilespmem:s3], [sflag:$0x1] =	stream.indirect.gather [hbm4b:s4+s18], $0x80, s28, s18, $0xb8;
	[tilespmem:$0x18800] =	vst v63  }
0xa9: {  	_ =	swait.ge [sflag:s15], $0x4000  }
0xaa: {  	[sflag:s15] =	ssyncset.done $0x0  }
0xab: {  	[sflag:s15] =	ssyncadd.s32 $0xFFFFC000  }
0xac: {  	[spmem:s1] =	stream.indirect.scatter.add.f32 [tilespmem:s3], [sflag:$0x1], $0x80, s29, s18, $0xb8;
	[tilespmem:$0x18800] =	vst v63  }
0xad: {  	_ =	swait.ge [sflag:s15], $0x4000  }
0xae: {  	[sflag:s15] =	ssyncset.done $0x0  }
0xaf: {  	[sflag:s15] =	ssyncadd.s32 $0xFFFFC000  }
0xb0: {  	[tilespmem:s3], [sflag:$0x1] =	stream.indirect.gather [hbm4b:s4+s18], $0x80, s30, s18, $0xb8;
	[tilespmem:$0x18800] =	vst v63  }
0xb1: {  	_ =	swait.ge [sflag:s15], $0x4000  }
0xb2: {  	[sflag:s15] =	ssyncset.done $0x0  }
0xb3: {  	[sflag:s15] =	ssyncadd.s32 $0xFFFFC000  }
0xb4: {  	[spmem:s1] =	stream.indirect.scatter.add.f32 [tilespmem:s3], [sflag:$0x1], $0x80, s31, s18, $0xb8;
	[tilespmem:$0x18800] =	vst v63  }
0xb5: {  	_ =	swait.ge [sflag:s15], $0x4000  }
0xb6: {  	[sflag:s15] =	ssyncset.done $0x0  }
0xb7: {  	[sflag:s15] =	ssyncadd.s32 $0xFFFFC000  }
0xb8: {  	[tilespmem:s3], [sflag:$0x1] =	stream.indirect.gather [hbm4b:s4+s18], $0x80, s0, s18, $0xb8;
	[tilespmem:$0x18800] =	vst v63  }
0xb9: {  	_ =	swait.ge [sflag:s15], $0x4000  }
.Ltmp0:
0xba: {  	[sflag:s15] =	ssyncset.done $0x0;
	(pc) =	sbr.rel @p0 .LBB2_2-.Ltmp0, $4  }
0xbb: {  	[sflag:s15] =	ssyncadd.s32 $0xFFFFC000  }
0xbc: {  	[spmem:s1] =	stream.indirect.scatter.add.f32 [tilespmem:s3], [sflag:$0x1], $0x80, s2, s18, $0xb8;
	[tilespmem:$0x18800] =	vst v63  }
0xbd: {  	_ =	swait.ge [sflag:s15], $0x4000  }
0xbe: {  	s8 =	smov.u32 s9;
	[sflag:s15] =	ssyncset.done $0x0  }
0xbf: {  	s8 =	sadd.s32 s7, s14;
	[sflag:s15] =	ssyncadd.s32 $0xFFFFC000  }
0xc0: {  	[tilespmem:s16], [sflag:$0x1] =	stream.linear.gather [hbm4b:s8+s3], $0x400, $0x38;
	[tilespmem:$0x18800] =	vst v63  }
0xc1: {  	_ =	swait.ge [sflag:s15], $0x400  }
0xc2: {  	[sflag:s15] =	ssyncset.done $0x0  }
0xc3: {  	s9 =	sadd.s32 s7, s13;
	[sflag:s15] =	ssyncadd.s32 $0xFFFFFC00  }
0xc4: {  	[tilespmem:s17], [sflag:$0x1] =	stream.linear.gather [hbm4b:s9+s3], $0x400, $0x38;
	[tilespmem:$0x18800] =	vst v63  }
0xc5: {  	_ =	swait.ge [sflag:s15], $0x400  }
0xc6: {  	[sflag:s15] =	ssyncset.done $0x0  }
0xc7: {  	[sflag:s15] =	ssyncadd.s32 $0xFFFFFC00  }
0xc8: {  	[tilespmem:s3], [sflag:$0x1] =	stream.indirect.gather [hbm4b:s4+s18], $0x80, s16, s18, $0xb8;
	[tilespmem:$0x18800] =	vst v63  }
0xc9: {  	_ =	swait.ge [sflag:s15], $0x4000  }
0xca: {  	[sflag:s15] =	ssyncset.done $0x0  }
0xcb: {  	[sflag:s15] =	ssyncadd.s32 $0xFFFFC000  }
0xcc: {  	[spmem:s1] =	stream.indirect.scatter.add.f32 [tilespmem:s3], [sflag:$0x1], $0x80, s17, s18, $0xb8;
	[tilespmem:$0x18800] =	vst v63  }
0xcd: {  	_ =	swait.ge [sflag:s15], $0x4000  }
0xce: {  	[sflag:s15] =	ssyncset.done $0x0  }
0xcf: {  	[sflag:s15] =	ssyncadd.s32 $0xFFFFC000  }
0xd0: {  	[tilespmem:s3], [sflag:$0x1] =	stream.indirect.gather [hbm4b:s4+s18], $0x80, s19, s18, $0xb8;
	[tilespmem:$0x18800] =	vst v63  }
0xd1: {  	_ =	swait.ge [sflag:s15], $0x4000  }
0xd2: {  	[sflag:s15] =	ssyncset.done $0x0  }
0xd3: {  	[sflag:s15] =	ssyncadd.s32 $0xFFFFC000  }
0xd4: {  	[spmem:s1] =	stream.indirect.scatter.add.f32 [tilespmem:s3], [sflag:$0x1], $0x80, s20, s18, $0xb8;
	[tilespmem:$0x18800] =	vst v63  }
0xd5: {  	_ =	swait.ge [sflag:s15], $0x4000  }
0xd6: {  	[sflag:s15] =	ssyncset.done $0x0  }
0xd7: {  	[sflag:s15] =	ssyncadd.s32 $0xFFFFC000  }
0xd8: {  	[tilespmem:s3], [sflag:$0x1] =	stream.indirect.gather [hbm4b:s4+s18], $0x80, s21, s18, $0xb8;
	[tilespmem:$0x18800] =	vst v63  }
0xd9: {  	_ =	swait.ge [sflag:s15], $0x4000  }
0xda: {  	[sflag:s15] =	ssyncset.done $0x0  }
0xdb: {  	[sflag:s15] =	ssyncadd.s32 $0xFFFFC000  }
0xdc: {  	[spmem:s1] =	stream.indirect.scatter.add.f32 [tilespmem:s3], [sflag:$0x1], $0x80, s22, s18, $0xb8;
	[tilespmem:$0x18800] =	vst v63  }
0xdd: {  	_ =	swait.ge [sflag:s15], $0x4000  }
0xde: {  	[sflag:s15] =	ssyncset.done $0x0  }
0xdf: {  	[sflag:s15] =	ssyncadd.s32 $0xFFFFC000  }
0xe0: {  	[tilespmem:s3], [sflag:$0x1] =	stream.indirect.gather [hbm4b:s4+s18], $0x80, s23, s18, $0xb8;
	[tilespmem:$0x18800] =	vst v63  }
0xe1: {  	_ =	swait.ge [sflag:s15], $0x4000  }
0xe2: {  	[sflag:s15] =	ssyncset.done $0x0  }
0xe3: {  	[sflag:s15] =	ssyncadd.s32 $0xFFFFC000  }
0xe4: {  	[spmem:s1] =	stream.indirect.scatter.add.f32 [tilespmem:s3], [sflag:$0x1], $0x80, s24, s18, $0xb8;
	[tilespmem:$0x18800] =	vst v63  }
0xe5: {  	_ =	swait.ge [sflag:s15], $0x4000  }
0xe6: {  	[sflag:s15] =	ssyncset.done $0x0  }
0xe7: {  	[sflag:s15] =	ssyncadd.s32 $0xFFFFC000  }
0xe8: {  	[tilespmem:s3], [sflag:$0x1] =	stream.indirect.gather [hbm4b:s4+s18], $0x80, s25, s18, $0xb8;
	[tilespmem:$0x18800] =	vst v63  }
0xe9: {  	_ =	swait.ge [sflag:s15], $0x4000  }
0xea: {  	[sflag:s15] =	ssyncset.done $0x0  }
0xeb: {  	[sflag:s15] =	ssyncadd.s32 $0xFFFFC000  }
0xec: {  	[spmem:s1] =	stream.indirect.scatter.add.f32 [tilespmem:s3], [sflag:$0x1], $0x80, s26, s18, $0xb8;
	[tilespmem:$0x18800] =	vst v63  }
0xed: {  	_ =	swait.ge [sflag:s15], $0x4000  }
0xee: {  	[sflag:s15] =	ssyncset.done $0x0  }
0xef: {  	[sflag:s15] =	ssyncadd.s32 $0xFFFFC000  }
0xf0: {  	[tilespmem:s3], [sflag:$0x1] =	stream.indirect.gather [hbm4b:s4+s18], $0x80, s28, s18, $0xb8;
	[tilespmem:$0x18800] =	vst v63  }
0xf1: {  	_ =	swait.ge [sflag:s15], $0x4000  }
0xf2: {  	[sflag:s15] =	ssyncset.done $0x0  }
0xf3: {  	[sflag:s15] =	ssyncadd.s32 $0xFFFFC000  }
0xf4: {  	[spmem:s1] =	stream.indirect.scatter.add.f32 [tilespmem:s3], [sflag:$0x1], $0x80, s29, s18, $0xb8;
	[tilespmem:$0x18800] =	vst v63  }
0xf5: {  	_ =	swait.ge [sflag:s15], $0x4000  }
0xf6: {  	[sflag:s15] =	ssyncset.done $0x0  }
0xf7: {  	[sflag:s15] =	ssyncadd.s32 $0xFFFFC000  }
0xf8: {  	[tilespmem:s3], [sflag:$0x1] =	stream.indirect.gather [hbm4b:s4+s18], $0x80, s30, s18, $0xb8;
	[tilespmem:$0x18800] =	vst v63  }
0xf9: {  	_ =	swait.ge [sflag:s15], $0x4000  }
0xfa: {  	[sflag:s15] =	ssyncset.done $0x0  }
0xfb: {  	[sflag:s15] =	ssyncadd.s32 $0xFFFFC000  }
0xfc: {  	[spmem:s1] =	stream.indirect.scatter.add.f32 [tilespmem:s3], [sflag:$0x1], $0x80, s31, s18, $0xb8;
	[tilespmem:$0x18800] =	vst v63  }
0xfd: {  	_ =	swait.ge [sflag:s15], $0x4000  }
0xfe: {  	[sflag:s15] =	ssyncset.done $0x0  }
0xff: {  	[sflag:s15] =	ssyncadd.s32 $0xFFFFC000  }
0x100: {  	[tilespmem:s3], [sflag:$0x1] =	stream.indirect.gather [hbm4b:s4+s18], $0x80, s0, s18, $0xb8;
	[tilespmem:$0x18800] =	vst v63  }
0x101: {  	_ =	swait.ge [sflag:s15], $0x4000  }
0x102: {  	[sflag:s15] =	ssyncset.done $0x0  }
0x103: {  	[sflag:s15] =	ssyncadd.s32 $0xFFFFC000  }
0x104: {  	[spmem:s1] =	stream.indirect.scatter.add.f32 [tilespmem:s3], [sflag:$0x1], $0x80, s2, s18, $0xb8;
	[tilespmem:$0x18800] =	vst v63  }
0x105: {  	_ =	swait.ge [sflag:s15], $0x4000  }
0x106: {  	s10 =	stileid.u32;
	[sflag:s15] =	ssyncset.done $0x0  }
0x107: {  	s11 =	sshrl.u32 s6, $0x3;
	s5 =	sadd.s32 $0x1, s5;
	[sflag:s15] =	ssyncadd.s32 $0xFFFFC000  }
0x108: {  	s7 =	sshll.u32 s10, $0x6;
	p0 =	sne.s32 s5, s12;
	[bflag:$0x0] =	sbarrier.arrive $0xFFFF  }
.Ltmp1:
0x109: {  	s7 =	sor.u32 $0x1C01, s7;
	s9 =	rddreg [dreg:$0x8];
	(pc) =	sbr.rel @p0 .LBB2_1-.Ltmp1, $4  }
0x10a: {  	[hbm:s9], [sflag:s7] =	dma.local [spmem:s11], $0x2800  }
0x10b: {  	_ =	swait.ge [sflag:s15], $0x2800  }
0x10c: {  	[sflag:s15] =	ssyncset.done $0x0  }
0x10d: {  	[sflag:s15] =	ssyncadd.s32 $0xFFFFD800  }
0x10e: {  	_ =	sfence.sel $0x180000  }
0x10f: {  	[bflag:$0x0] =	sbarrier.arrive $0xFFFF  }
0x110: {  	_ =	strace $0x90000047  }
0x111: {  	s0 =	stileid.u32;
	[bflag:$0x2] =	sbarrier.arrive $0xFFFF  }
0x112: {  	p0 =	sne.s32 s0, $0x0;
	s0 =	rddreg [dreg:$0x2]  }
0x113: {  	s0 =	sadd.s32 @!p0 $0x100000, s0  }
0x114: {  	[sflag:s0] =	ssyncadd.tile.s32 @!p0 $0x1;
	_ =	shalt  }
.Lfunc_end2:
_tile_overlayer_lowered:
.L_overlay_start_2:
0x115: {  	(tag) =	ssettag $0x2  }
0x116: {  	s0 =	rddreg [dreg:$0x0];
	s2 =	stileid.u32  }
0x117: {  	s1 =	rddreg [dreg:$0x1];
	p0 =	sne.s32 s2, $0x0  }
0x118: {  	s3 =	rddreg [dreg:$0x2];
	[bflag:$0x3] =	sbarrier.arrive $0xFFFF;
	s2 =	simm.s32 @!p0 $0x1C01  }
0x119: {  	[timem:s3], [sflag:s2] =	dma.local @!p0 [hbm:s0], s1  }
0x11a: {  	s0 =	simm.s32 @!p0 $0x1  }
0x11b: {  	_ =	swait.ge @!p0 [sflag:s0], s1  }
0x11c: {  	s1 =	ssub.s32 @!p0 $0x0, s1;
	[sflag:s0] =	ssyncset.done @!p0 $0x0  }
0x11d: {  	[sflag:s0] =	ssyncadd.s32 @!p0 s1  }
0x11e: {  	[bflag:$0x3] =	sbarrier.arrive $0xFFFF  }
0x11f: {  	_ =	shalt  }

// kernel: kernel.14.cloned.1.call-start
scs
__scs_entry_jumppad:
0x0: {  	(pc) =	sbr.rel $0x88, $3  }
0x1: {  	(tag) =	ssettag $0x0;
	lr =	simm.s32 $0x1  }
0x2: {  	[smem:$0x3F93] =	sst lr;
	_ =	strace $0xD0000000  }
0x3: {  	_ = 	snop  }
0x4: {  	_ = 	snop  }
0x5: {  	_ = 	snop  }
0x6: {  	_ = 	snop  }
0x7: {  	_ = 	snop  }
__scs_overlays_trampoline_lowered:
0x8: {  	[smem:$0x3FA2] =	sst s0  }
0x9: {  	[smem:$0x3FA3] =	sst s1  }
0xa: {  	[smem:$0x3FA4] =	sst s2  }
0xb: {  	[smem:$0x3FA5] =	sst s3  }
0xc: {  	[smem:$0x3FA6] =	sst s4  }
0xd: {  	[smem:$0x3FA7] =	sst s5  }
0xe: {  	[smem:$0x3FA8] =	sst s6  }
0xf: {  	[smem:$0x3FA9] =	sst s7  }
0x10: {  	[smem:$0x3FAA] =	sst s8  }
0x11: {  	[smem:$0x3FAB] =	sst s9;
	s0 =	simm.s32 @!p0 $0x0  }
0x12: {  	s1 =	sld [smem:$0x3F91];
	s0 =	simm.s32 @p0 $0x1  }
0x13: {  	[smem:$0x3FAC] =	sst s0;
	s0 =	simm.s32 @!p1 $0x0  }
0x14: {  	s2 =	sld [smem:$0x3F90];
	s0 =	simm.s32 @p1 $0x1  }
0x15: {  	[smem:$0x3FAD] =	sst s0;
	s0 =	simm.s32 @!p2 $0x0  }
0x16: {  	s3 =	sld [smem:$0x3FDB];
	s0 =	simm.s32 @p2 $0x1  }
0x17: {  	s4 =	simm.s32 $0x1BF5;
	[smem:$0x3FAF] =	sst s0  }
0x18: {  	s0 =	sld [smem:$0x3F92];
	_ =	swait.ge [sflag:s4], $0x0  }
0x19: {  	s7 =	sld [smem:$0x3F93]  }
0x1a: {  	s8 =	sadd.s32 $0xFFFFE003, lr  }
0x1b: {  	s9 =	sadd.s32 $0xFFFFFEF7, lr;
	s5 =	simm.s32 $0xFFFFFFFF;
	p2 =	slt.u32 s8, $0xFFFFF086  }
0x1c: {  	p1 =	slt.u32 s9, $0xF7A;
	s5 =	simm.s32 @!p2 $0x0  }
0x1d: {  	s5 =	simm.s32 @p1 $0x1;
	p0 =	seq.s32 s7, s2  }
0x1e: {  	s7 =	smul.u32 @!p0 $0xF7A, s2;
	p2 =	seq.s32 @!p0 s5, $0x0  }
0x1f: {  	s9 =	smul.u32 $0xF7A, s1;
	s8 =	simm.s32 @!p0 $0x1BF5;
	p2 =	por !p2, p0  }
0x20: {  	[sflag:s8] =	ssyncset.s32 @!p0 $0xFFFFF086;
	s6 =	sadd.s32 @!p0 s3, s7;
	s7 =	simm.s32 @!p0 $0x108  }
0x21: {  	s3 =	sadd.s32 s3, s9;
	s6 =	sadd.s32 @!p0 $0x88, s6;
	s7 =	simm.s32 @p2 $0x1082  }
0x22: {  	[simem:s7], [sflag:s8] =	dma.local @!p0 [hbm:s6], $0xF7A  }
0x23: {  	s9 =	sor.u32 $0xD0000000, s2;
	s6 =	simm.s32 $0x108;
	_ =	swait.ge @!p0 [sflag:s8], $0x0  }
0x24: {  	s3 =	sadd.s32 $0x88, s3;
	s6 =	simm.s32 @!p1 $0x1082;
	[sflag:s4] =	ssyncset.s32 $0xFFFFF086  }
0x25: {  	[simem:s6], [sflag:s4] =	dma.local [hbm:s3], $0xF7A  }
0x26: {  	[smem:$0x3F93] =	sst s1;
	(tag) =	ssettag s2;
	_ =	strace s9  }
0x27: {  	s1 =	sld [smem:$0x3FA3]  }
0x28: {  	s2 =	sld [smem:$0x3FA4]  }
0x29: {  	s4 =	sld [smem:$0x3FA6]  }
0x2a: {  	p0 =	seq.s32 s5, $0x0;
	s5 =	sld [smem:$0x3FA7]  }
0x2b: {  	s6 =	sld [smem:$0x3FA8]  }
0x2c: {  	s7 =	sld [smem:$0x3FA9]  }
0x2d: {  	s3 =	simm.s32 $0x108;
	s8 =	sld [smem:$0x3FAA]  }
0x2e: {  	s3 =	simm.s32 @!p0 $0x1082;
	s9 =	sld [smem:$0x3FAB]  }
0x2f: {  	lr =	sadd.s32 s0, s3;
	s0 =	sld [smem:$0x3FA2]  }
0x30: {  	s3 =	sld [smem:$0x3FA5]  }
0x31: {  	[smem:$0x3FAE] =	sst s10  }
0x32: {  	s10 =	sld [smem:$0x3FAC];
	_ =	sdelay $0x3  }
0x33: {  	p0 =	seq.s32 s10, $0x1;
	s10 =	sld [smem:$0x3FAE];
	_ =	sdelay $0x3  }
0x34: {  	[smem:$0x3FAE] =	sst s10  }
0x35: {  	s10 =	sld [smem:$0x3FAD];
	_ =	sdelay $0x3  }
0x36: {  	p1 =	seq.s32 s10, $0x1;
	s10 =	sld [smem:$0x3FAE];
	_ =	sdelay $0x3  }
0x37: {  	[smem:$0x3FAE] =	sst s10  }
0x38: {  	s10 =	sld [smem:$0x3FAF]  }
0x39: {  	_ = 	snop;
	(pc) =	sbr.ind lr, $3  }
0x3a: {  	_ = 	snop  }
0x3b: {  	_ = 	snop  }
0x3c: {  	p2 =	seq.s32 s10, $0x1;
	s10 =	sld [smem:$0x3FAE]  }
0x3d: {  	_ =	shalt  }
0x3e: {  	_ =	shalt  }
0x3f: {  	_ =	shalt  }
0x40: {  	_ =	shalt  }
0x41: {  	_ =	shalt  }
0x42: {  	_ =	shalt  }
0x43: {  	_ =	shalt  }
0x44: {  	_ =	shalt  }
0x45: {  	_ =	shalt  }
0x46: {  	_ =	shalt  }
0x47: {  	_ =	shalt  }
0x48: {  	_ =	shalt  }
0x49: {  	_ =	shalt  }
0x4a: {  	_ =	shalt  }
0x4b: {  	_ =	shalt  }
0x4c: {  	_ =	shalt  }
0x4d: {  	_ =	shalt  }
0x4e: {  	_ =	shalt  }
0x4f: {  	_ =	shalt  }
0x50: {  	_ =	shalt  }
0x51: {  	_ =	shalt  }
0x52: {  	_ =	shalt  }
0x53: {  	_ =	shalt  }
0x54: {  	_ =	shalt  }
0x55: {  	_ =	shalt  }
0x56: {  	_ =	shalt  }
0x57: {  	_ =	shalt  }
0x58: {  	_ =	shalt  }
0x59: {  	_ =	shalt  }
0x5a: {  	_ =	shalt  }
0x5b: {  	_ =	shalt  }
0x5c: {  	_ =	shalt  }
0x5d: {  	_ =	shalt  }
0x5e: {  	_ =	shalt  }
0x5f: {  	_ =	shalt  }
0x60: {  	_ =	shalt  }
0x61: {  	_ =	shalt  }
0x62: {  	_ =	shalt  }
0x63: {  	_ =	shalt  }
0x64: {  	_ =	shalt  }
0x65: {  	_ =	shalt  }
0x66: {  	_ =	shalt  }
0x67: {  	_ =	shalt  }
0x68: {  	_ =	shalt  }
0x69: {  	_ =	shalt  }
0x6a: {  	_ =	shalt  }
0x6b: {  	_ =	shalt  }
0x6c: {  	_ =	shalt  }
0x6d: {  	_ =	shalt  }
0x6e: {  	_ =	shalt  }
0x6f: {  	_ =	shalt  }
0x70: {  	_ =	shalt  }
0x71: {  	_ =	shalt  }
0x72: {  	_ =	shalt  }
0x73: {  	_ =	shalt  }
0x74: {  	_ =	shalt  }
0x75: {  	_ =	shalt  }
0x76: {  	_ =	shalt  }
0x77: {  	_ =	shalt  }
0x78: {  	_ =	shalt  }
0x79: {  	_ =	shalt  }
0x7a: {  	_ =	shalt  }
0x7b: {  	_ =	shalt  }
0x7c: {  	_ =	shalt  }
0x7d: {  	_ =	shalt  }
0x7e: {  	_ =	shalt  }
0x7f: {  	_ =	shalt  }
0x80: {  	_ =	shalt  }
0x81: {  	_ =	shalt  }
0x82: {  	_ =	shalt  }
0x83: {  	_ =	shalt  }
0x84: {  	_ =	shalt  }
0x85: {  	_ =	shalt  }
0x86: {  	_ =	shalt  }
0x87: {  	_ =	shalt  }
.Lfunc_end0:
.L_simem_size_0:
called_computation.1_lowered:
.L_overlay_start_0:
0x88: {  	s2 =	sld [smem:$0x3FD9]  }
0x89: {  	s3 =	sld [smem:$0x3FFE];
	_ =	sdelay $0x1  }
0x8a: {  	s1 =	srdreg.scid  }
0x8b: {  	s0 =	sand.u32 $0x1, s1  }
0x8c: {  	s17 =	sshll.u32 s0, $0xA;
	s2 =	sadd.s32 s3, s2  }
0x8d: {  	s2 =	sadd.s32 s2, s17  }
0x8e: {  	[smem:$0x3FBA] =	sst s2  }
0x8f: {  	_ = 	snop  }
0x90: {  	s2 =	sld [smem:$0x3FD0];
	(tm) =	ssettm $0x1  }
0x91: {  	s18 =	sld [smem:$0x3FFB];
	_ =	sdelay $0x3  }
0x92: {  	_ =	strace s18  }
0x93: {  	s3 =	sld [smem:$0x3FFC];
	_ =	sdelay $0x3  }
0x94: {  	_ =	strace s3  }
0x95: {  	s3 =	sld [smem:$0x3FFD];
	_ =	sdelay $0x3  }
0x96: {  	_ =	strace s3  }
0x97: {  	_ =	strace $0x8FFFFFFF  }
0x98: {  	s19 =	sld [smem:$0x3FDB];
	_ =	sdelay $0x1  }
0x99: {  	s4 =	simm.s32 $_scs_section_size  }
0x9a: {  	s5 =	simm.s32 $_size__tile_overlayer_lowered;
	s6 =	simm.s32 $_tile_overlayer_lowered  }
0x9b: {  	s22 =	simm.s32 $0x1BFF;
	s21 =	sshll.u32 s6, $0x1;
	s3 =	sadd.s32 s4, s19  }
0x9c: {  	s7 =	simm.s32 $0x0;
	s20 =	sshll.u32 s5, $0x1;
	s5 =	sadd.s32 s21, s3  }
0x9d: {  	[timem:s7], [sflag:s22] =	dma.local [hbm:s5], s20  }
0x9e: {  	_ =	swait.ge [sflag:s22], s20  }
0x9f: {  	s4 =	ssub.s32 $0x0, s20;
	[sflag:s22] =	ssyncset.done $0x0  }
0xa0: {  	[sflag:s22] =	ssyncadd.s32 s4;
	_ =	sdelay $0x1  }
0xa1: {  	s23 =	simm.s32 $0x1B8B  }
0xa2: {  	_ =	swait.ge [sflag:s23], $0x1  }
0xa3: {  	[sflag:s23] =	ssyncset.done $0x0  }
0xa4: {  	s25 =	simm.s32 $0x1B8E;
	s24 =	sld [smem:$0x3FFE];
	[sflag:s23] =	ssyncadd.s32 $0xFFFFFFFF  }
0xa5: {  	s26 =	simm.s32 $execute0_lowered;
	[smem:$0x3FD2] =	sst s25  }
0xa6: {  	s5 =	sshll.u32 s26, $0x1;
	_ =	strace $0x80000049;
	[dreg:$0x1] =	wrdreg $0xFFFFFFFF  }
0xa7: {  	s28 =	simm.s32 $_size_execute0_lowered;
	s3 =	sadd.s32 s3, s5;
	[dreg:$0x0] =	wrdreg $0x0  }
0xa8: {  	s5 =	sshll.u32 s28, $0x1;
	[dreg:$0x2] =	wrdreg s3  }
0xa9: {  	[dreg:$0x3] =	wrdreg s5  }
0xaa: {  	[dreg:$0x4] =	wrdreg $0xC0  }
0xab: {  	_ =	task [dreg:s7], $0x5FFFF  }
0xac: {  	[dreg:$0x1] =	wrdreg $0xFFFFFFFF  }
0xad: {  	[dreg:$0x0] =	wrdreg $0x60  }
0xae: {  	[dreg:$0x2] =	wrdreg s24  }
0xaf: {  	[dreg:$0x3] =	wrdreg s2  }
0xb0: {  	[dreg:$0x4] =	wrdreg $0x48000  }
0xb1: {  	[dreg:$0x5] =	wrdreg $0x9  }
0xb2: {  	_ =	task.clear_ibuf [dreg:s7], $0x6FFFF;
	_ =	strace $0x90000049  }
0xb3: {  	s29 =	simm.s32 $0x9;
	_ =	strace $0x8000004B  }
0xb4: {  	_ =	swait.ge [sflag:s29], $0x1  }
0xb5: {  	[sflag:s29] =	ssyncadd.s32 $0xFFFFFFFF  }
0xb6: {  	_ =	strace $0x9000004B  }
0xb7: {  	_ =	sfence  }
0xb8: {  	s30 =	sld [smem:$0x0];
	_ =	sdelay $0x2  }
0xb9: {  	s31 =	sshll.u32 s1, $0xD;
	s1 =	sshrl.u32 s1, $0x2  }
0xba: {  	s3 =	sand.u32 $0x4000, s31;
	s1 =	sadd.s32 s1, s30  }
0xbb: {  	s0 =	sor.u32 s3, s0;
	s1 =	sshll.u32 s1, $0x11  }
0xbc: {  	s0 =	sor.u32 s1, s0  }
0xbd: {  	s0 =	sadd.s32 $0x8F2B, s0  }
0xbe: {  	[sflag:s0] =	ssyncadd.remote.s32 $0x1  }
0xbf: {  	_ =	sfence.sel $0xFFFF  }
0xc0: {  	[dreg:$0x0] =	wrdreg $0xFFFFFFFF;
	(pc) =	sbr.abs _section_cstart, $3  }
0xc1: {  	[dreg:$0x1] =	wrdreg $0xFFFFFFFF  }
0xc2: {  	_ =	task.clear_ibuf [dreg:s7], $0x2FFFF;
	_ =	strace $0x9FFFFFFF  }
0xc3: {  	(tm) =	ssettm $0x7FFFFFFF  }
tec
execute0_lowered:
.L_overlay_start_1:
0x0: {  	(tag) =	ssettag $0x1  }
0x1: {  	s0 =	rddreg [dreg:$0x0]  }
0x2: {  	s2 =	rddreg [dreg:$0x1]  }
0x3: {  	s1 =	rddreg [dreg:$0x2]  }
0x4: {  	s4 =	srdreg.scid;
	s3 =	simm.s32 $0x0;
	s11 =	stileid.u32  }
0x5: {  	s15 =	simm.s32 $0x1;
	s16 =	simm.s32 $0x4000;
	s17 =	simm.s32 $0x4400  }
0x6: {  	s18 =	simm.s32 $0x80;
	s19 =	simm.s32 $0x4080;
	s20 =	simm.s32 $0x4480  }
0x7: {  	s28 =	simm.s32 $0x4280;
	s29 =	simm.s32 $0x4680;
	s8 =	smul.u32 $0x14000, s11  }
0x8: {  	s30 =	simm.s32 $0x4300;
	s31 =	simm.s32 $0x4700;
	s10 =	smul.u32 $0x50000, s11  }
0x9: {  	s5 =	sand.u32 $0x1, s4;
	[smem:$0x7FF] =	sst s3;
	s24 =	smul.u32 $0x500, s11  }
0xa: {  	s4 =	sadd.s32 $0x48800, s0;
	s12 =	sadd.s32 $0x48000, s0;
	s7 =	smul.u32 $0x5000, s5  }
0xb: {  	s6 =	smul.u32 $0x140000, s5;
	_ =	strace $0x8000004A;
	s5 =	ssub.s32 $0x2, s5  }
0xc: {  	[dreg:$0x4] =	wrdreg s12;
	s21 =	sshrl.u32 s5, $0x1;
	s10 =	sshrl.u32 s10, $0x2  }
0xd: {  	s9 =	sadd.s32 s7, s0;
	s6 =	sadd.s32 s8, s6;
	s5 =	ssub.s32 s5, s21  }
0xe: {  	s2 =	sadd.s32 s7, s2;
	s21 =	simm.s32 $0x4100;
	s6 =	sshrl.u32 s6, $0x3  }
0xf: {  	s12 =	smax.u32 s5, $0x1;
	s0 =	sadd.s32 s6, s0;
	s6 =	sadd.s32 s10, s1  }
0x10: {  	s26 =	sadd.s32 s24, s9;
	s14 =	sadd.s32 s24, s2;
	s22 =	sadd.s32 $0x4000, s6  }
0x11: {  	s24 =	simm.s32 $0x4580;
	s23 =	sadd.s32 $0x8000, s6;
	[dreg:$0x5] =	wrdreg s22  }
0x12: {  	s2 =	simm.s32 $0x4780;
	s10 =	sadd.s32 $0xC000, s6;
	[dreg:$0x6] =	wrdreg s23  }
0x13: {  	s5 =	simm.s32 $0x0;
	s25 =	sadd.s32 $0x10000, s6;
	[dreg:$0x7] =	wrdreg s10  }
0x14: {  	s13 =	sadd.s32 $0xCE00, s26;
	s0 =	sadd.s32 $0x6FA00, s0;
	[dreg:$0x8] =	wrdreg s25  }
0x15: {  	s26 =	simm.s32 $0x4600;
	[dreg:$0x9] =	wrdreg s0;
	s22 =	simm.s32 $0x4500  }
0x16: {  	s23 =	simm.s32 $0x4180;
	s25 =	simm.s32 $0x4200;
	s0 =	simm.s32 $0x4380  }
.LBB2_1:
0x17: {  	s7 =	rddreg [dreg:$0x4]  }
0x18: {  	[tilespmem:s3], [sflag:$0x1] =	stream.linear.gather [hbm4b:s7+s3], $0x4000, $0x38;
	[tilespmem:$0x18800] =	vst v63  }
0x19: {  	_ =	swait.ge [sflag:s15], $0x4000  }
0x1a: {  	[sflag:s15] =	ssyncset.done $0x0  }
0x1b: {  	[sflag:s15] =	ssyncadd.s32 $0xFFFFC000  }
0x1c: {  	[spmem:s6] =	stream.linear.scatter [tilespmem:s3], [sflag:$0x1], $0x4000, $0x38;
	[tilespmem:$0x18800] =	vst v63  }
0x1d: {  	_ =	swait.ge [sflag:s15], $0x4000  }
0x1e: {  	[sflag:s15] =	ssyncset.done $0x0  }
0x1f: {  	s10 =	rddreg [dreg:$0x5];
	[sflag:s15] =	ssyncadd.s32 $0xFFFFC000  }
0x20: {  	[spmem:s10] =	stream.linear.scatter [tilespmem:s3], [sflag:$0x1], $0x4000, $0x38;
	[tilespmem:$0x18800] =	vst v63  }
0x21: {  	_ =	swait.ge [sflag:s15], $0x4000  }
0x22: {  	[sflag:s15] =	ssyncset.done $0x0  }
0x23: {  	s11 =	rddreg [dreg:$0x6];
	[sflag:s15] =	ssyncadd.s32 $0xFFFFC000  }
0x24: {  	[spmem:s11] =	stream.linear.scatter [tilespmem:s3], [sflag:$0x1], $0x4000, $0x38;
	[tilespmem:$0x18800] =	vst v63  }
0x25: {  	_ =	swait.ge [sflag:s15], $0x4000  }
0x26: {  	[sflag:s15] =	ssyncset.done $0x0  }
0x27: {  	s8 =	rddreg [dreg:$0x7];
	[sflag:s15] =	ssyncadd.s32 $0xFFFFC000  }
0x28: {  	[spmem:s8] =	stream.linear.scatter [tilespmem:s3], [sflag:$0x1], $0x4000, $0x38;
	[tilespmem:$0x18800] =	vst v63  }
0x29: {  	_ =	swait.ge [sflag:s15], $0x4000  }
0x2a: {  	[sflag:s15] =	ssyncset.done $0x0  }
0x2b: {  	s9 =	rddreg [dreg:$0x8];
	[sflag:s15] =	ssyncadd.s32 $0xFFFFC000  }
0x2c: {  	[spmem:s9] =	stream.linear.scatter [tilespmem:s3], [sflag:$0x1], $0x4000, $0x38;
	[tilespmem:$0x18800] =	vst v63  }
0x2d: {  	_ =	swait.ge [sflag:s15], $0x4000  }
0x2e: {  	[sflag:s15] =	ssyncset.done $0x0  }
0x2f: {  	[sflag:s15] =	ssyncadd.s32 $0xFFFFC000  }
0x30: {  	s10 =	sadd.s32 $0x0, s14;
	[bflag:$0x0] =	sbarrier.arrive $0xFFFF  }
0x31: {  	[tilespmem:s16], [sflag:$0x1] =	stream.linear.gather [hbm4b:s10+s3], $0x400, $0x38;
	[tilespmem:$0x18800] =	vst v63  }
0x32: {  	_ =	swait.ge [sflag:s15], $0x400  }
0x33: {  	[sflag:s15] =	ssyncset.done $0x0  }
0x34: {  	s11 =	sadd.s32 $0x0, s13;
	[sflag:s15] =	ssyncadd.s32 $0xFFFFFC00  }
0x35: {  	[tilespmem:s17], [sflag:$0x1] =	stream.linear.gather [hbm4b:s11+s3], $0x400, $0x38;
	[tilespmem:$0x18800] =	vst v63  }
0x36: {  	_ =	swait.ge [sflag:s15], $0x400  }
0x37: {  	[sflag:s15] =	ssyncset.done $0x0  }
0x38: {  	[sflag:s15] =	ssyncadd.s32 $0xFFFFFC00  }
0x39: {  	[tilespmem:s3], [sflag:$0x1] =	stream.indirect.gather [hbm4b:s4+s18], $0x80, s16, s18, $0xb8;
	[tilespmem:$0x18800] =	vst v63  }
0x3a: {  	_ =	swait.ge [sflag:s15], $0x4000  }
0x3b: {  	[sflag:s15] =	ssyncset.done $0x0  }
0x3c: {  	[sflag:s15] =	ssyncadd.s32 $0xFFFFC000  }
0x3d: {  	[spmem:s1] =	stream.indirect.scatter.add.f32 [tilespmem:s3], [sflag:$0x1], $0x80, s17, s18, $0xb8;
	[tilespmem:$0x18800] =	vst v63  }
0x3e: {  	_ =	swait.ge [sflag:s15], $0x4000  }
0x3f: {  	[sflag:s15] =	ssyncset.done $0x0  }
0x40: {  	[sflag:s15] =	ssyncadd.s32 $0xFFFFC000  }
0x41: {  	[tilespmem:s3], [sflag:$0x1] =	stream.indirect.gather [hbm4b:s4+s18], $0x80, s19, s18, $0xb8;
	[tilespmem:$0x18800] =	vst v63  }
0x42: {  	_ =	swait.ge [sflag:s15], $0x4000  }
0x43: {  	[sflag:s15] =	ssyncset.done $0x0  }
0x44: {  	[sflag:s15] =	ssyncadd.s32 $0xFFFFC000  }
0x45: {  	[spmem:s1] =	stream.indirect.scatter.add.f32 [tilespmem:s3], [sflag:$0x1], $0x80, s20, s18, $0xb8;
	[tilespmem:$0x18800] =	vst v63  }
0x46: {  	_ =	swait.ge [sflag:s15], $0x4000  }
0x47: {  	[sflag:s15] =	ssyncset.done $0x0  }
0x48: {  	[sflag:s15] =	ssyncadd.s32 $0xFFFFC000  }
0x49: {  	[tilespmem:s3], [sflag:$0x1] =	stream.indirect.gather [hbm4b:s4+s18], $0x80, s21, s18, $0xb8;
	[tilespmem:$0x18800] =	vst v63  }
0x4a: {  	_ =	swait.ge [sflag:s15], $0x4000  }
0x4b: {  	[sflag:s15] =	ssyncset.done $0x0  }
0x4c: {  	[sflag:s15] =	ssyncadd.s32 $0xFFFFC000  }
0x4d: {  	[spmem:s1] =	stream.indirect.scatter.add.f32 [tilespmem:s3], [sflag:$0x1], $0x80, s22, s18, $0xb8;
	[tilespmem:$0x18800] =	vst v63  }
0x4e: {  	_ =	swait.ge [sflag:s15], $0x4000  }
0x4f: {  	[sflag:s15] =	ssyncset.done $0x0  }
0x50: {  	[sflag:s15] =	ssyncadd.s32 $0xFFFFC000  }
0x51: {  	[tilespmem:s3], [sflag:$0x1] =	stream.indirect.gather [hbm4b:s4+s18], $0x80, s23, s18, $0xb8;
	[tilespmem:$0x18800] =	vst v63  }
0x52: {  	_ =	swait.ge [sflag:s15], $0x4000  }
0x53: {  	[sflag:s15] =	ssyncset.done $0x0  }
0x54: {  	[sflag:s15] =	ssyncadd.s32 $0xFFFFC000  }
0x55: {  	[spmem:s1] =	stream.indirect.scatter.add.f32 [tilespmem:s3], [sflag:$0x1], $0x80, s24, s18, $0xb8;
	[tilespmem:$0x18800] =	vst v63  }
0x56: {  	_ =	swait.ge [sflag:s15], $0x4000  }
0x57: {  	[sflag:s15] =	ssyncset.done $0x0  }
0x58: {  	[sflag:s15] =	ssyncadd.s32 $0xFFFFC000  }
0x59: {  	[tilespmem:s3], [sflag:$0x1] =	stream.indirect.gather [hbm4b:s4+s18], $0x80, s25, s18, $0xb8;
	[tilespmem:$0x18800] =	vst v63  }
0x5a: {  	_ =	swait.ge [sflag:s15], $0x4000  }
0x5b: {  	[sflag:s15] =	ssyncset.done $0x0  }
0x5c: {  	[sflag:s15] =	ssyncadd.s32 $0xFFFFC000  }
0x5d: {  	[spmem:s1] =	stream.indirect.scatter.add.f32 [tilespmem:s3], [sflag:$0x1], $0x80, s26, s18, $0xb8;
	[tilespmem:$0x18800] =	vst v63  }
0x5e: {  	_ =	swait.ge [sflag:s15], $0x4000  }
0x5f: {  	[sflag:s15] =	ssyncset.done $0x0  }
0x60: {  	[sflag:s15] =	ssyncadd.s32 $0xFFFFC000  }
0x61: {  	[tilespmem:s3], [sflag:$0x1] =	stream.indirect.gather [hbm4b:s4+s18], $0x80, s28, s18, $0xb8;
	[tilespmem:$0x18800] =	vst v63  }
0x62: {  	_ =	swait.ge [sflag:s15], $0x4000  }
0x63: {  	[sflag:s15] =	ssyncset.done $0x0  }
0x64: {  	[sflag:s15] =	ssyncadd.s32 $0xFFFFC000  }
0x65: {  	[spmem:s1] =	stream.indirect.scatter.add.f32 [tilespmem:s3], [sflag:$0x1], $0x80, s29, s18, $0xb8;
	[tilespmem:$0x18800] =	vst v63  }
0x66: {  	_ =	swait.ge [sflag:s15], $0x4000  }
0x67: {  	[sflag:s15] =	ssyncset.done $0x0  }
0x68: {  	[sflag:s15] =	ssyncadd.s32 $0xFFFFC000  }
0x69: {  	[tilespmem:s3], [sflag:$0x1] =	stream.indirect.gather [hbm4b:s4+s18], $0x80, s30, s18, $0xb8;
	[tilespmem:$0x18800] =	vst v63  }
0x6a: {  	_ =	swait.ge [sflag:s15], $0x4000  }
0x6b: {  	[sflag:s15] =	ssyncset.done $0x0  }
0x6c: {  	[sflag:s15] =	ssyncadd.s32 $0xFFFFC000  }
0x6d: {  	[spmem:s1] =	stream.indirect.scatter.add.f32 [tilespmem:s3], [sflag:$0x1], $0x80, s31, s18, $0xb8;
	[tilespmem:$0x18800] =	vst v63  }
0x6e: {  	_ =	swait.ge [sflag:s15], $0x4000  }
0x6f: {  	[sflag:s15] =	ssyncset.done $0x0  }
0x70: {  	[sflag:s15] =	ssyncadd.s32 $0xFFFFC000  }
0x71: {  	[tilespmem:s3], [sflag:$0x1] =	stream.indirect.gather [hbm4b:s4+s18], $0x80, s0, s18, $0xb8;
	[tilespmem:$0x18800] =	vst v63  }
0x72: {  	_ =	swait.ge [sflag:s15], $0x4000  }
0x73: {  	[sflag:s15] =	ssyncset.done $0x0  }
0x74: {  	[sflag:s15] =	ssyncadd.s32 $0xFFFFC000  }
0x75: {  	[spmem:s1] =	stream.indirect.scatter.add.f32 [tilespmem:s3], [sflag:$0x1], $0x80, s2, s18, $0xb8;
	[tilespmem:$0x18800] =	vst v63  }
0x76: {  	_ =	swait.ge [sflag:s15], $0x4000  }
0x77: {  	s7 =	simm.s32 $0x80;
	s8 =	simm.s32 $0x100;
	[sflag:s15] =	ssyncset.done $0x0  }
.LBB2_2:
0x78: {  	s10 =	sadd.s32 s7, s14  }
0x79: {  	[sflag:s15] =	ssyncadd.s32 $0xFFFFC000;
	s11 =	smov.u32 s8;
	s9 =	sadd.s32 $0x80, s8  }
0x7a: {  	[tilespmem:s16], [sflag:$0x1] =	stream.linear.gather [hbm4b:s10+s3], $0x400, $0x38;
	[tilespmem:$0x18800] =	vst v63  }
0x7b: {  	p0 =	sne.s32 s8, $0x480;
	_ =	swait.ge [sflag:s15], $0x400  }
0x7c: {  	[sflag:s15] =	ssyncset.done $0x0  }
0x7d: {  	s8 =	sadd.s32 s7, s13;
	s7 =	smov.u32 s11;
	[sflag:s15] =	ssyncadd.s32 $0xFFFFFC00  }
0x7e: {  	[tilespmem:s17], [sflag:$0x1] =	stream.linear.gather [hbm4b:s8+s3], $0x400, $0x38;
	[tilespmem:$0x18800] =	vst v63  }
0x7f: {  	_ =	swait.ge [sflag:s15], $0x400  }
0x80: {  	[sflag:s15] =	ssyncset.done $0x0  }
0x81: {  	[sflag:s15] =	ssyncadd.s32 $0xFFFFFC00  }
0x82: {  	[tilespmem:s3], [sflag:$0x1] =	stream.indirect.gather [hbm4b:s4+s18], $0x80, s16, s18, $0xb8;
	[tilespmem:$0x18800] =	vst v63  }
0x83: {  	_ =	swait.ge [sflag:s15], $0x4000  }
0x84: {  	[sflag:s15] =	ssyncset.done $0x0  }
0x85: {  	[sflag:s15] =	ssyncadd.s32 $0xFFFFC000  }
0x86: {  	[spmem:s1] =	stream.indirect.scatter.add.f32 [tilespmem:s3], [sflag:$0x1], $0x80, s17, s18, $0xb8;
	[tilespmem:$0x18800] =	vst v63  }
0x87: {  	_ =	swait.ge [sflag:s15], $0x4000  }
0x88: {  	[sflag:s15] =	ssyncset.done $0x0  }
0x89: {  	[sflag:s15] =	ssyncadd.s32 $0xFFFFC000  }
0x8a: {  	[tilespmem:s3], [sflag:$0x1] =	stream.indirect.gather [hbm4b:s4+s18], $0x80, s19, s18, $0xb8;
	[tilespmem:$0x18800] =	vst v63  }
0x8b: {  	_ =	swait.ge [sflag:s15], $0x4000  }
0x8c: {  	[sflag:s15] =	ssyncset.done $0x0  }
0x8d: {  	[sflag:s15] =	ssyncadd.s32 $0xFFFFC000  }
0x8e: {  	[spmem:s1] =	stream.indirect.scatter.add.f32 [tilespmem:s3], [sflag:$0x1], $0x80, s20, s18, $0xb8;
	[tilespmem:$0x18800] =	vst v63  }
0x8f: {  	_ =	swait.ge [sflag:s15], $0x4000  }
0x90: {  	[sflag:s15] =	ssyncset.done $0x0  }
0x91: {  	[sflag:s15] =	ssyncadd.s32 $0xFFFFC000  }
0x92: {  	[tilespmem:s3], [sflag:$0x1] =	stream.indirect.gather [hbm4b:s4+s18], $0x80, s21, s18, $0xb8;
	[tilespmem:$0x18800] =	vst v63  }
0x93: {  	_ =	swait.ge [sflag:s15], $0x4000  }
0x94: {  	[sflag:s15] =	ssyncset.done $0x0  }
0x95: {  	[sflag:s15] =	ssyncadd.s32 $0xFFFFC000  }
0x96: {  	[spmem:s1] =	stream.indirect.scatter.add.f32 [tilespmem:s3], [sflag:$0x1], $0x80, s22, s18, $0xb8;
	[tilespmem:$0x18800] =	vst v63  }
0x97: {  	_ =	swait.ge [sflag:s15], $0x4000  }
0x98: {  	[sflag:s15] =	ssyncset.done $0x0  }
0x99: {  	[sflag:s15] =	ssyncadd.s32 $0xFFFFC000  }
0x9a: {  	[tilespmem:s3], [sflag:$0x1] =	stream.indirect.gather [hbm4b:s4+s18], $0x80, s23, s18, $0xb8;
	[tilespmem:$0x18800] =	vst v63  }
0x9b: {  	_ =	swait.ge [sflag:s15], $0x4000  }
0x9c: {  	[sflag:s15] =	ssyncset.done $0x0  }
0x9d: {  	[sflag:s15] =	ssyncadd.s32 $0xFFFFC000  }
0x9e: {  	[spmem:s1] =	stream.indirect.scatter.add.f32 [tilespmem:s3], [sflag:$0x1], $0x80, s24, s18, $0xb8;
	[tilespmem:$0x18800] =	vst v63  }
0x9f: {  	_ =	swait.ge [sflag:s15], $0x4000  }
0xa0: {  	[sflag:s15] =	ssyncset.done $0x0  }
0xa1: {  	[sflag:s15] =	ssyncadd.s32 $0xFFFFC000  }
0xa2: {  	[tilespmem:s3], [sflag:$0x1] =	stream.indirect.gather [hbm4b:s4+s18], $0x80, s25, s18, $0xb8;
	[tilespmem:$0x18800] =	vst v63  }
0xa3: {  	_ =	swait.ge [sflag:s15], $0x4000  }
0xa4: {  	[sflag:s15] =	ssyncset.done $0x0  }
0xa5: {  	[sflag:s15] =	ssyncadd.s32 $0xFFFFC000  }
0xa6: {  	[spmem:s1] =	stream.indirect.scatter.add.f32 [tilespmem:s3], [sflag:$0x1], $0x80, s26, s18, $0xb8;
	[tilespmem:$0x18800] =	vst v63  }
0xa7: {  	_ =	swait.ge [sflag:s15], $0x4000  }
0xa8: {  	[sflag:s15] =	ssyncset.done $0x0  }
0xa9: {  	[sflag:s15] =	ssyncadd.s32 $0xFFFFC000  }
0xaa: {  	[tilespmem:s3], [sflag:$0x1] =	stream.indirect.gather [hbm4b:s4+s18], $0x80, s28, s18, $0xb8;
	[tilespmem:$0x18800] =	vst v63  }
0xab: {  	_ =	swait.ge [sflag:s15], $0x4000  }
0xac: {  	[sflag:s15] =	ssyncset.done $0x0  }
0xad: {  	[sflag:s15] =	ssyncadd.s32 $0xFFFFC000  }
0xae: {  	[spmem:s1] =	stream.indirect.scatter.add.f32 [tilespmem:s3], [sflag:$0x1], $0x80, s29, s18, $0xb8;
	[tilespmem:$0x18800] =	vst v63  }
0xaf: {  	_ =	swait.ge [sflag:s15], $0x4000  }
0xb0: {  	[sflag:s15] =	ssyncset.done $0x0  }
0xb1: {  	[sflag:s15] =	ssyncadd.s32 $0xFFFFC000  }
0xb2: {  	[tilespmem:s3], [sflag:$0x1] =	stream.indirect.gather [hbm4b:s4+s18], $0x80, s30, s18, $0xb8;
	[tilespmem:$0x18800] =	vst v63  }
0xb3: {  	_ =	swait.ge [sflag:s15], $0x4000  }
0xb4: {  	[sflag:s15] =	ssyncset.done $0x0  }
0xb5: {  	[sflag:s15] =	ssyncadd.s32 $0xFFFFC000  }
0xb6: {  	[spmem:s1] =	stream.indirect.scatter.add.f32 [tilespmem:s3], [sflag:$0x1], $0x80, s31, s18, $0xb8;
	[tilespmem:$0x18800] =	vst v63  }
0xb7: {  	_ =	swait.ge [sflag:s15], $0x4000  }
0xb8: {  	[sflag:s15] =	ssyncset.done $0x0  }
0xb9: {  	[sflag:s15] =	ssyncadd.s32 $0xFFFFC000  }
0xba: {  	[tilespmem:s3], [sflag:$0x1] =	stream.indirect.gather [hbm4b:s4+s18], $0x80, s0, s18, $0xb8;
	[tilespmem:$0x18800] =	vst v63  }
0xbb: {  	_ =	swait.ge [sflag:s15], $0x4000  }
.Ltmp0:
0xbc: {  	[sflag:s15] =	ssyncset.done $0x0;
	(pc) =	sbr.rel @p0 .LBB2_2-.Ltmp0, $4  }
0xbd: {  	[sflag:s15] =	ssyncadd.s32 $0xFFFFC000  }
0xbe: {  	[spmem:s1] =	stream.indirect.scatter.add.f32 [tilespmem:s3], [sflag:$0x1], $0x80, s2, s18, $0xb8;
	[tilespmem:$0x18800] =	vst v63  }
0xbf: {  	_ =	swait.ge [sflag:s15], $0x4000  }
0xc0: {  	s8 =	smov.u32 s9;
	[sflag:s15] =	ssyncset.done $0x0  }
0xc1: {  	s8 =	sadd.s32 s7, s14;
	[sflag:s15] =	ssyncadd.s32 $0xFFFFC000  }
0xc2: {  	[tilespmem:s16], [sflag:$0x1] =	stream.linear.gather [hbm4b:s8+s3], $0x400, $0x38;
	[tilespmem:$0x18800] =	vst v63  }
0xc3: {  	_ =	swait.ge [sflag:s15], $0x400  }
0xc4: {  	[sflag:s15] =	ssyncset.done $0x0  }
0xc5: {  	s9 =	sadd.s32 s7, s13;
	[sflag:s15] =	ssyncadd.s32 $0xFFFFFC00  }
0xc6: {  	[tilespmem:s17], [sflag:$0x1] =	stream.linear.gather [hbm4b:s9+s3], $0x400, $0x38;
	[tilespmem:$0x18800] =	vst v63  }
0xc7: {  	_ =	swait.ge [sflag:s15], $0x400  }
0xc8: {  	[sflag:s15] =	ssyncset.done $0x0  }
0xc9: {  	[sflag:s15] =	ssyncadd.s32 $0xFFFFFC00  }
0xca: {  	[tilespmem:s3], [sflag:$0x1] =	stream.indirect.gather [hbm4b:s4+s18], $0x80, s16, s18, $0xb8;
	[tilespmem:$0x18800] =	vst v63  }
0xcb: {  	_ =	swait.ge [sflag:s15], $0x4000  }
0xcc: {  	[sflag:s15] =	ssyncset.done $0x0  }
0xcd: {  	[sflag:s15] =	ssyncadd.s32 $0xFFFFC000  }
0xce: {  	[spmem:s1] =	stream.indirect.scatter.add.f32 [tilespmem:s3], [sflag:$0x1], $0x80, s17, s18, $0xb8;
	[tilespmem:$0x18800] =	vst v63  }
0xcf: {  	_ =	swait.ge [sflag:s15], $0x4000  }
0xd0: {  	[sflag:s15] =	ssyncset.done $0x0  }
0xd1: {  	[sflag:s15] =	ssyncadd.s32 $0xFFFFC000  }
0xd2: {  	[tilespmem:s3], [sflag:$0x1] =	stream.indirect.gather [hbm4b:s4+s18], $0x80, s19, s18, $0xb8;
	[tilespmem:$0x18800] =	vst v63  }
0xd3: {  	_ =	swait.ge [sflag:s15], $0x4000  }
0xd4: {  	[sflag:s15] =	ssyncset.done $0x0  }
0xd5: {  	[sflag:s15] =	ssyncadd.s32 $0xFFFFC000  }
0xd6: {  	[spmem:s1] =	stream.indirect.scatter.add.f32 [tilespmem:s3], [sflag:$0x1], $0x80, s20, s18, $0xb8;
	[tilespmem:$0x18800] =	vst v63  }
0xd7: {  	_ =	swait.ge [sflag:s15], $0x4000  }
0xd8: {  	[sflag:s15] =	ssyncset.done $0x0  }
0xd9: {  	[sflag:s15] =	ssyncadd.s32 $0xFFFFC000  }
0xda: {  	[tilespmem:s3], [sflag:$0x1] =	stream.indirect.gather [hbm4b:s4+s18], $0x80, s21, s18, $0xb8;
	[tilespmem:$0x18800] =	vst v63  }
0xdb: {  	_ =	swait.ge [sflag:s15], $0x4000  }
0xdc: {  	[sflag:s15] =	ssyncset.done $0x0  }
0xdd: {  	[sflag:s15] =	ssyncadd.s32 $0xFFFFC000  }
0xde: {  	[spmem:s1] =	stream.indirect.scatter.add.f32 [tilespmem:s3], [sflag:$0x1], $0x80, s22, s18, $0xb8;
	[tilespmem:$0x18800] =	vst v63  }
0xdf: {  	_ =	swait.ge [sflag:s15], $0x4000  }
0xe0: {  	[sflag:s15] =	ssyncset.done $0x0  }
0xe1: {  	[sflag:s15] =	ssyncadd.s32 $0xFFFFC000  }
0xe2: {  	[tilespmem:s3], [sflag:$0x1] =	stream.indirect.gather [hbm4b:s4+s18], $0x80, s23, s18, $0xb8;
	[tilespmem:$0x18800] =	vst v63  }
0xe3: {  	_ =	swait.ge [sflag:s15], $0x4000  }
0xe4: {  	[sflag:s15] =	ssyncset.done $0x0  }
0xe5: {  	[sflag:s15] =	ssyncadd.s32 $0xFFFFC000  }
0xe6: {  	[spmem:s1] =	stream.indirect.scatter.add.f32 [tilespmem:s3], [sflag:$0x1], $0x80, s24, s18, $0xb8;
	[tilespmem:$0x18800] =	vst v63  }
0xe7: {  	_ =	swait.ge [sflag:s15], $0x4000  }
0xe8: {  	[sflag:s15] =	ssyncset.done $0x0  }
0xe9: {  	[sflag:s15] =	ssyncadd.s32 $0xFFFFC000  }
0xea: {  	[tilespmem:s3], [sflag:$0x1] =	stream.indirect.gather [hbm4b:s4+s18], $0x80, s25, s18, $0xb8;
	[tilespmem:$0x18800] =	vst v63  }
0xeb: {  	_ =	swait.ge [sflag:s15], $0x4000  }
0xec: {  	[sflag:s15] =	ssyncset.done $0x0  }
0xed: {  	[sflag:s15] =	ssyncadd.s32 $0xFFFFC000  }
0xee: {  	[spmem:s1] =	stream.indirect.scatter.add.f32 [tilespmem:s3], [sflag:$0x1], $0x80, s26, s18, $0xb8;
	[tilespmem:$0x18800] =	vst v63  }
0xef: {  	_ =	swait.ge [sflag:s15], $0x4000  }
0xf0: {  	[sflag:s15] =	ssyncset.done $0x0  }
0xf1: {  	[sflag:s15] =	ssyncadd.s32 $0xFFFFC000  }
0xf2: {  	[tilespmem:s3], [sflag:$0x1] =	stream.indirect.gather [hbm4b:s4+s18], $0x80, s28, s18, $0xb8;
	[tilespmem:$0x18800] =	vst v63  }
0xf3: {  	_ =	swait.ge [sflag:s15], $0x4000  }
0xf4: {  	[sflag:s15] =	ssyncset.done $0x0  }
0xf5: {  	[sflag:s15] =	ssyncadd.s32 $0xFFFFC000  }
0xf6: {  	[spmem:s1] =	stream.indirect.scatter.add.f32 [tilespmem:s3], [sflag:$0x1], $0x80, s29, s18, $0xb8;
	[tilespmem:$0x18800] =	vst v63  }
0xf7: {  	_ =	swait.ge [sflag:s15], $0x4000  }
0xf8: {  	[sflag:s15] =	ssyncset.done $0x0  }
0xf9: {  	[sflag:s15] =	ssyncadd.s32 $0xFFFFC000  }
0xfa: {  	[tilespmem:s3], [sflag:$0x1] =	stream.indirect.gather [hbm4b:s4+s18], $0x80, s30, s18, $0xb8;
	[tilespmem:$0x18800] =	vst v63  }
0xfb: {  	_ =	swait.ge [sflag:s15], $0x4000  }
0xfc: {  	[sflag:s15] =	ssyncset.done $0x0  }
0xfd: {  	[sflag:s15] =	ssyncadd.s32 $0xFFFFC000  }
0xfe: {  	[spmem:s1] =	stream.indirect.scatter.add.f32 [tilespmem:s3], [sflag:$0x1], $0x80, s31, s18, $0xb8;
	[tilespmem:$0x18800] =	vst v63  }
0xff: {  	_ =	swait.ge [sflag:s15], $0x4000  }
0x100: {  	[sflag:s15] =	ssyncset.done $0x0  }
0x101: {  	[sflag:s15] =	ssyncadd.s32 $0xFFFFC000  }
0x102: {  	[tilespmem:s3], [sflag:$0x1] =	stream.indirect.gather [hbm4b:s4+s18], $0x80, s0, s18, $0xb8;
	[tilespmem:$0x18800] =	vst v63  }
0x103: {  	_ =	swait.ge [sflag:s15], $0x4000  }
0x104: {  	[sflag:s15] =	ssyncset.done $0x0  }
0x105: {  	[sflag:s15] =	ssyncadd.s32 $0xFFFFC000  }
0x106: {  	[spmem:s1] =	stream.indirect.scatter.add.f32 [tilespmem:s3], [sflag:$0x1], $0x80, s2, s18, $0xb8;
	[tilespmem:$0x18800] =	vst v63  }
0x107: {  	_ =	swait.ge [sflag:s15], $0x4000  }
0x108: {  	s10 =	stileid.u32;
	[sflag:s15] =	ssyncset.done $0x0  }
0x109: {  	s11 =	sshrl.u32 s6, $0x3;
	s5 =	sadd.s32 $0x1, s5;
	[sflag:s15] =	ssyncadd.s32 $0xFFFFC000  }
0x10a: {  	s7 =	sshll.u32 s10, $0x6;
	p0 =	sne.s32 s5, s12;
	[bflag:$0x0] =	sbarrier.arrive $0xFFFF  }
.Ltmp1:
0x10b: {  	s7 =	sor.u32 $0x1C01, s7;
	s9 =	rddreg [dreg:$0x9];
	(pc) =	sbr.rel @p0 .LBB2_1-.Ltmp1, $4  }
0x10c: {  	[hbm:s9], [sflag:s7] =	dma.local [spmem:s11], $0x2800  }
0x10d: {  	_ =	swait.ge [sflag:s15], $0x2800  }
0x10e: {  	[sflag:s15] =	ssyncset.done $0x0  }
0x10f: {  	[sflag:s15] =	ssyncadd.s32 $0xFFFFD800  }
0x110: {  	_ =	sfence.sel $0x180000  }
0x111: {  	[bflag:$0x0] =	sbarrier.arrive $0xFFFF  }
0x112: {  	_ =	strace $0x9000004A  }
0x113: {  	s0 =	stileid.u32;
	[bflag:$0x2] =	sbarrier.arrive $0xFFFF  }
0x114: {  	p0 =	sne.s32 s0, $0x0;
	s0 =	rddreg [dreg:$0x3]  }
0x115: {  	s0 =	sadd.s32 @!p0 $0x100000, s0  }
0x116: {  	[sflag:s0] =	ssyncadd.tile.s32 @!p0 $0x1;
	_ =	shalt  }
.Lfunc_end2:
_tile_overlayer_lowered:
.L_overlay_start_2:
0x117: {  	(tag) =	ssettag $0x2  }
0x118: {  	s0 =	rddreg [dreg:$0x0];
	s2 =	stileid.u32  }
0x119: {  	s1 =	rddreg [dreg:$0x1];
	p0 =	sne.s32 s2, $0x0  }
0x11a: {  	s3 =	rddreg [dreg:$0x2];
	[bflag:$0x3] =	sbarrier.arrive $0xFFFF;
	s2 =	simm.s32 @!p0 $0x1C01  }
0x11b: {  	[timem:s3], [sflag:s2] =	dma.local @!p0 [hbm:s0], s1  }
0x11c: {  	s0 =	simm.s32 @!p0 $0x1  }
0x11d: {  	_ =	swait.ge @!p0 [sflag:s0], s1  }
0x11e: {  	s1 =	ssub.s32 @!p0 $0x0, s1;
	[sflag:s0] =	ssyncset.done @!p0 $0x0  }
0x11f: {  	[sflag:s0] =	ssyncadd.s32 @!p0 s1  }
0x120: {  	[bflag:$0x3] =	sbarrier.arrive $0xFFFF  }
0x121: {  	_ =	shalt  }

</sc_bundles>
